<compile_context>
chip_gen: v7x
topology: tpu7x:2x2x1
jax: 0.10.2.dev20260603
libtpu: 0.0.44.dev20260713+nightly
codegen_flags: <defaults>
</compile_context>

<pallas_src>
import functools

import jax
import jax.numpy as jnp
from jax import lax
from jax.experimental import pallas as pl
from jax.experimental.pallas import tpu as pltpu
from jax.experimental.pallas import tpu_sc as plsc

_NUM_SC = 2
_NUM_SUBCORES = 16


def _pe_build_kernel(col_ref, row_ref, pe_ref):
    W, half = col_ref.shape
    H = row_ref.shape[0]
    col = col_ref[...]
    row = row_ref[...]
    pe_ref[:, :, :half] = jnp.broadcast_to(col[None, :, :], (H, W, half))
    pe_ref[:, :, half:] = jnp.broadcast_to(row[:, None, :], (H, W, half))


def _build_pe(col_table, row_table, H, W, C):
    return pl.pallas_call(
        _pe_build_kernel,
        out_shape=jax.ShapeDtypeStruct((H, W, C), jnp.float32),
    )(col_table, row_table)


def _sc_fanout(pe, B):
    HW, C = pe.shape
    N_RCHUNK = 8
    N_BGROUP = 4
    r_chunk = HW // N_RCHUNK
    b_group = B // N_BGROUP

    mesh = plsc.VectorSubcoreMesh(
        core_axis_name="c", subcore_axis_name="s",
        num_cores=_NUM_SC, num_subcores=_NUM_SUBCORES)

    @functools.partial(
        pl.kernel,
        out_type=jax.ShapeDtypeStruct((B, HW, C), jnp.float32),
        mesh=mesh,
        scratch_types=[
            pltpu.VMEM((r_chunk, C), jnp.float32),
            pltpu.SemaphoreType.DMA,
        ],
    )
    def fanout(pe_hbm, out_hbm, slice_v, sem):
        wid = lax.axis_index("s") * _NUM_SC + lax.axis_index("c")
        rchunk_id = lax.rem(wid, N_RCHUNK)
        bgroup_id = lax.div(wid, N_RCHUNK)
        base_r = rchunk_id * r_chunk
        base_b = bgroup_id * b_group
        pltpu.sync_copy(pe_hbm.at[pl.ds(base_r, r_chunk)], slice_v)
        copies = [
            pltpu.make_async_copy(
                slice_v, out_hbm.at[base_b + k].at[pl.ds(base_r, r_chunk)],
                sem)
            for k in range(b_group)
        ]
        for cp in copies:
            cp.start()
        for cp in copies:
            cp.wait()

    return fanout(pe)


def kernel(image_feature, col_table, row_table):
    B, C, H, W = image_feature.shape
    pe = _build_pe(col_table, row_table, H, W, C)
    out = _sc_fanout(pe.reshape(H * W, C), B)
    return out.reshape(B, H, W, C).transpose(0, 3, 1, 2)

# --- scband reference (transcript-rebuilt; emitter-appended) ---
"""Pipeline reference for scband-positional-encoding-78993038508337 (READ-ONLY COPY).

The authoritative reference and input builder live on the scoring server;
editing this copy changes nothing except your own understanding.
"""

import jax, jax.numpy as jnp
import numpy as np

EMB_DIM = 512
HALF_DIM = EMB_DIM // 2
COL_PE_LEN = 40
ROW_PE_LEN = 40


def setup_inputs(seed: int = 0) -> dict:
    key = jax.random.key(seed)
    k1, k2, k3 = jax.random.split(key, 3)
    image_feature = jax.random.normal(k1, (64, 512, 40, 40), dtype=jnp.float32)
    col_table = jax.random.normal(k2, (COL_PE_LEN, HALF_DIM), dtype=jnp.float32)
    row_table = jax.random.normal(k3, (ROW_PE_LEN, HALF_DIM), dtype=jnp.float32)
    return {"image_feature": image_feature, "col_table": col_table, "row_table": row_table}


def reference(image_feature, col_table, row_table):
    if image_feature.ndim != 4:
        raise ValueError("Image feature tensor must be 4D.")
    B, _, H, W = image_feature.shape
    col_range = jnp.arange(W)
    row_range = jnp.arange(H)
    col_emb = jnp.take(col_table, col_range, axis=0)  # [W, half]
    row_emb = jnp.take(row_table, row_range, axis=0)  # [H, half]
    col_b = jnp.broadcast_to(col_emb[None, :, :], (H, W, col_emb.shape[-1]))
    row_b = jnp.broadcast_to(row_emb[:, None, :], (H, W, row_emb.shape[-1]))
    pe = jnp.concatenate([col_b, row_b], axis=-1)       # [H, W, emb]
    pe = jnp.transpose(pe, (2, 0, 1))[None, :, :, :]     # [1, emb, H, W]
    pe = jnp.broadcast_to(pe, (B, pe.shape[1], H, W))
    return pe

if __name__ == "__main__":
    import jax
    _d = setup_inputs()
    print(jax.jit(kernel)(*tuple(_d.values())))

</pallas_src>

<mosaic_0001>
#map = affine_map<(d0, d1) -> (0, 0)>
#map1 = affine_map<(d0, d1) -> (0, 0, 0)>
module attributes {stable_mosaic.version = 14 : i64} {
  func.func @fanout(%arg0: i32, %arg1: i32, %arg2: memref<1600x512xf32, #tpu.memory_space<hbm>>, %arg3: memref<64x1600x512xf32, #tpu.memory_space<hbm>>, %arg4: memref<200x512xf32, #tpu.memory_space<vmem>>, %arg5: memref<!tpu.dma_semaphore, #tpu.memory_space<semaphore_mem>>) attributes {dimension_semantics = [#tpu.dimension_semantics<core_parallel>, #tpu.dimension_semantics<subcore_parallel>], iteration_bounds = array<i64: 2, 16>, scalar_prefetch = 0 : i64, scratch_operands = 2 : i64, tpu.core_type = #tpu.core_type<sc_vector_subcore>, window_params = [{transform_indices = #map}, {transform_indices = #map1}]} {
    %mul3A = arith.constant 2 : i32
    %mul3A_0 = arith.muli %arg1, %mul3A : i32
    %add3A = arith.addi %mul3A_0, %arg0 : i32
    %rem3A = arith.constant 8 : i32
    %rem3A_1 = arith.remsi %add3A, %rem3A : i32
    %div3A = arith.constant 8 : i32
    %div3A_2 = arith.divsi %add3A, %div3A : i32
    %mul3A_3 = arith.constant 200 : i32
    %mul3A_4 = arith.muli %rem3A_1, %mul3A_3 : i32
    %mul3A_5 = arith.constant 16 : i32
    %mul3A_6 = arith.muli %div3A_2, %mul3A_5 : i32
    "tpu.region"() ({
      %run_scoped3A = tpu.sem_alloc : memref<!tpu.dma_semaphore, #tpu.memory_space<semaphore_mem>>
      %dma_start3A_421 = arith.constant 0 : i32
      %dma_start3A_422 = tpu.memref_slice %arg2[%mul3A_4, %dma_start3A_421] : memref<1600x512xf32, #tpu.memory_space<hbm>> -> memref<200x512xf32, #tpu.memory_space<hbm>>
      %dma_start3A_423 = arith.constant 0 : i32
      %dma_start3A_424 = tpu.memref_slice %arg2[%mul3A_4, %dma_start3A_423] : memref<1600x512xf32, #tpu.memory_space<hbm>> -> memref<200x512xf32, #tpu.memory_space<hbm>>
      tpu.enqueue_dma source(%dma_start3A_424 : memref<200x512xf32, #tpu.memory_space<hbm>>) target(%arg4 : memref<200x512xf32, #tpu.memory_space<vmem>>) target_semaphore(%run_scoped3A : memref<!tpu.dma_semaphore, #tpu.memory_space<semaphore_mem>>)
      %dma_wait3A_425 = arith.constant 0 : i32
      %dma_wait3A_426 = tpu.memref_slice %arg2[%mul3A_4, %dma_wait3A_425] : memref<1600x512xf32, #tpu.memory_space<hbm>> -> memref<200x512xf32, #tpu.memory_space<hbm>>
      %dma_wait3A_427 = arith.constant 0 : i32
      %dma_wait3A_428 = tpu.memref_slice %arg2[%mul3A_4, %dma_wait3A_427] : memref<1600x512xf32, #tpu.memory_space<hbm>> -> memref<200x512xf32, #tpu.memory_space<hbm>>
      tpu.wait_dma2 semaphore(%run_scoped3A : memref<!tpu.dma_semaphore, #tpu.memory_space<semaphore_mem>>) src(%dma_wait3A_428 : memref<200x512xf32, #tpu.memory_space<hbm>>) dst(%arg4 : memref<200x512xf32, #tpu.memory_space<vmem>>)
      tpu.yield
    }) : () -> ()
    %add3A_7 = arith.constant 0 : i32
    %add3A_8 = arith.addi %mul3A_6, %add3A_7 : i32
    %add3A_9 = arith.constant 1 : i32
    %add3A_10 = arith.addi %mul3A_6, %add3A_9 : i32
    %add3A_11 = arith.constant 2 : i32
    %add3A_12 = arith.addi %mul3A_6, %add3A_11 : i32
    %add3A_13 = arith.constant 3 : i32
    %add3A_14 = arith.addi %mul3A_6, %add3A_13 : i32
    %add3A_15 = arith.constant 4 : i32
    %add3A_16 = arith.addi %mul3A_6, %add3A_15 : i32
    %add3A_17 = arith.constant 5 : i32
    %add3A_18 = arith.addi %mul3A_6, %add3A_17 : i32
    %add3A_19 = arith.constant 6 : i32
    %add3A_20 = arith.addi %mul3A_6, %add3A_19 : i32
    %add3A_21 = arith.constant 7 : i32
    %add3A_22 = arith.addi %mul3A_6, %add3A_21 : i32
    %add3A_23 = arith.constant 8 : i32
    %add3A_24 = arith.addi %mul3A_6, %add3A_23 : i32
    %add3A_25 = arith.constant 9 : i32
    %add3A_26 = arith.addi %mul3A_6, %add3A_25 : i32
    %add3A_27 = arith.constant 10 : i32
    %add3A_28 = arith.addi %mul3A_6, %add3A_27 : i32
    %add3A_29 = arith.constant 11 : i32
    %add3A_30 = arith.addi %mul3A_6, %add3A_29 : i32
    %add3A_31 = arith.constant 12 : i32
    %add3A_32 = arith.addi %mul3A_6, %add3A_31 : i32
    %add3A_33 = arith.constant 13 : i32
    %add3A_34 = arith.addi %mul3A_6, %add3A_33 : i32
    %add3A_35 = arith.constant 14 : i32
    %add3A_36 = arith.addi %mul3A_6, %add3A_35 : i32
    %add3A_37 = arith.constant 15 : i32
    %add3A_38 = arith.addi %mul3A_6, %add3A_37 : i32
    %dma_start3A = arith.constant 0 : i32
    %dma_start3A_39 = arith.constant 0 : i32
    %dma_start3A_40 = tpu.memref_slice %arg3[%add3A_8, %dma_start3A, %dma_start3A_39] : memref<64x1600x512xf32, #tpu.memory_space<hbm>> -> memref<1x1600x512xf32, #tpu.memory_space<hbm>>
    %dma_start3A_41 = tpu.memref_squeeze %dma_start3A_40 : memref<1x1600x512xf32, #tpu.memory_space<hbm>> -> memref<1600x512xf32, #tpu.memory_space<hbm>>
    %dma_start3A_42 = arith.constant 0 : i32
    %dma_start3A_43 = tpu.memref_slice %dma_start3A_41[%mul3A_4, %dma_start3A_42] : memref<1600x512xf32, #tpu.memory_space<hbm>> -> memref<200x512xf32, #tpu.memory_space<hbm>>
    %dma_start3A_44 = arith.constant 0 : i32
    %dma_start3A_45 = arith.constant 0 : i32
    %dma_start3A_46 = tpu.memref_slice %arg3[%add3A_8, %dma_start3A_44, %dma_start3A_45] : memref<64x1600x512xf32, #tpu.memory_space<hbm>> -> memref<1x1600x512xf32, #tpu.memory_space<hbm>>
    %dma_start3A_47 = tpu.memref_squeeze %dma_start3A_46 : memref<1x1600x512xf32, #tpu.memory_space<hbm>> -> memref<1600x512xf32, #tpu.memory_space<hbm>>
    %dma_start3A_48 = arith.constant 0 : i32
    %dma_start3A_49 = tpu.memref_slice %dma_start3A_47[%mul3A_4, %dma_start3A_48] : memref<1600x512xf32, #tpu.memory_space<hbm>> -> memref<200x512xf32, #tpu.memory_space<hbm>>
    tpu.enqueue_dma source(%arg4 : memref<200x512xf32, #tpu.memory_space<vmem>>) target(%dma_start3A_49 : memref<200x512xf32, #tpu.memory_space<hbm>>) target_semaphore(%arg5 : memref<!tpu.dma_semaphore, #tpu.memory_space<semaphore_mem>>)
    %dma_start3A_50 = arith.constant 0 : i32
    %dma_start3A_51 = arith.constant 0 : i32
    %dma_start3A_52 = tpu.memref_slice %arg3[%add3A_10, %dma_start3A_50, %dma_start3A_51] : memref<64x1600x512xf32, #tpu.memory_space<hbm>> -> memref<1x1600x512xf32, #tpu.memory_space<hbm>>
    %dma_start3A_53 = tpu.memref_squeeze %dma_start3A_52 : memref<1x1600x512xf32, #tpu.memory_space<hbm>> -> memref<1600x512xf32, #tpu.memory_space<hbm>>
    %dma_start3A_54 = arith.constant 0 : i32
    %dma_start3A_55 = tpu.memref_slice %dma_start3A_53[%mul3A_4, %dma_start3A_54] : memref<1600x512xf32, #tpu.memory_space<hbm>> -> memref<200x512xf32, #tpu.memory_space<hbm>>
    %dma_start3A_56 = arith.constant 0 : i32
    %dma_start3A_57 = arith.constant 0 : i32
    %dma_start3A_58 = tpu.memref_slice %arg3[%add3A_10, %dma_start3A_56, %dma_start3A_57] : memref<64x1600x512xf32, #tpu.memory_space<hbm>> -> memref<1x1600x512xf32, #tpu.memory_space<hbm>>
    %dma_start3A_59 = tpu.memref_squeeze %dma_start3A_58 : memref<1x1600x512xf32, #tpu.memory_space<hbm>> -> memref<1600x512xf32, #tpu.memory_space<hbm>>
    %dma_start3A_60 = arith.constant 0 : i32
    %dma_start3A_61 = tpu.memref_slice %dma_start3A_59[%mul3A_4, %dma_start3A_60] : memref<1600x512xf32, #tpu.memory_space<hbm>> -> memref<200x512xf32, #tpu.memory_space<hbm>>
    tpu.enqueue_dma source(%arg4 : memref<200x512xf32, #tpu.memory_space<vmem>>) target(%dma_start3A_61 : memref<200x512xf32, #tpu.memory_space<hbm>>) target_semaphore(%arg5 : memref<!tpu.dma_semaphore, #tpu.memory_space<semaphore_mem>>)
    %dma_start3A_62 = arith.constant 0 : i32
    %dma_start3A_63 = arith.constant 0 : i32
    %dma_start3A_64 = tpu.memref_slice %arg3[%add3A_12, %dma_start3A_62, %dma_start3A_63] : memref<64x1600x512xf32, #tpu.memory_space<hbm>> -> memref<1x1600x512xf32, #tpu.memory_space<hbm>>
    %dma_start3A_65 = tpu.memref_squeeze %dma_start3A_64 : memref<1x1600x512xf32, #tpu.memory_space<hbm>> -> memref<1600x512xf32, #tpu.memory_space<hbm>>
    %dma_start3A_66 = arith.constant 0 : i32
    %dma_start3A_67 = tpu.memref_slice %dma_start3A_65[%mul3A_4, %dma_start3A_66] : memref<1600x512xf32, #tpu.memory_space<hbm>> -> memref<200x512xf32, #tpu.memory_space<hbm>>
    %dma_start3A_68 = arith.constant 0 : i32
    %dma_start3A_69 = arith.constant 0 : i32
    %dma_start3A_70 = tpu.memref_slice %arg3[%add3A_12, %dma_start3A_68, %dma_start3A_69] : memref<64x1600x512xf32, #tpu.memory_space<hbm>> -> memref<1x1600x512xf32, #tpu.memory_space<hbm>>
    %dma_start3A_71 = tpu.memref_squeeze %dma_start3A_70 : memref<1x1600x512xf32, #tpu.memory_space<hbm>> -> memref<1600x512xf32, #tpu.memory_space<hbm>>
    %dma_start3A_72 = arith.constant 0 : i32
    %dma_start3A_73 = tpu.memref_slice %dma_start3A_71[%mul3A_4, %dma_start3A_72] : memref<1600x512xf32, #tpu.memory_space<hbm>> -> memref<200x512xf32, #tpu.memory_space<hbm>>
    tpu.enqueue_dma source(%arg4 : memref<200x512xf32, #tpu.memory_space<vmem>>) target(%dma_start3A_73 : memref<200x512xf32, #tpu.memory_space<hbm>>) target_semaphore(%arg5 : memref<!tpu.dma_semaphore, #tpu.memory_space<semaphore_mem>>)
    %dma_start3A_74 = arith.constant 0 : i32
    %dma_start3A_75 = arith.constant 0 : i32
    %dma_start3A_76 = tpu.memref_slice %arg3[%add3A_14, %dma_start3A_74, %dma_start3A_75] : memref<64x1600x512xf32, #tpu.memory_space<hbm>> -> memref<1x1600x512xf32, #tpu.memory_space<hbm>>
    %dma_start3A_77 = tpu.memref_squeeze %dma_start3A_76 : memref<1x1600x512xf32, #tpu.memory_space<hbm>> -> memref<1600x512xf32, #tpu.memory_space<hbm>>
    %dma_start3A_78 = arith.constant 0 : i32
    %dma_start3A_79 = tpu.memref_slice %dma_start3A_77[%mul3A_4, %dma_start3A_78] : memref<1600x512xf32, #tpu.memory_space<hbm>> -> memref<200x512xf32, #tpu.memory_space<hbm>>
    %dma_start3A_80 = arith.constant 0 : i32
    %dma_start3A_81 = arith.constant 0 : i32
    %dma_start3A_82 = tpu.memref_slice %arg3[%add3A_14, %dma_start3A_80, %dma_start3A_81] : memref<64x1600x512xf32, #tpu.memory_space<hbm>> -> memref<1x1600x512xf32, #tpu.memory_space<hbm>>
    %dma_start3A_83 = tpu.memref_squeeze %dma_start3A_82 : memref<1x1600x512xf32, #tpu.memory_space<hbm>> -> memref<1600x512xf32, #tpu.memory_space<hbm>>
    %dma_start3A_84 = arith.constant 0 : i32
    %dma_start3A_85 = tpu.memref_slice %dma_start3A_83[%mul3A_4, %dma_start3A_84] : memref<1600x512xf32, #tpu.memory_space<hbm>> -> memref<200x512xf32, #tpu.memory_space<hbm>>
    tpu.enqueue_dma source(%arg4 : memref<200x512xf32, #tpu.memory_space<vmem>>) target(%dma_start3A_85 : memref<200x512xf32, #tpu.memory_space<hbm>>) target_semaphore(%arg5 : memref<!tpu.dma_semaphore, #tpu.memory_space<semaphore_mem>>)
    %dma_start3A_86 = arith.constant 0 : i32
    %dma_start3A_87 = arith.constant 0 : i32
    %dma_start3A_88 = tpu.memref_slice %arg3[%add3A_16, %dma_start3A_86, %dma_start3A_87] : memref<64x1600x512xf32, #tpu.memory_space<hbm>> -> memref<1x1600x512xf32, #tpu.memory_space<hbm>>
    %dma_start3A_89 = tpu.memref_squeeze %dma_start3A_88 : memref<1x1600x512xf32, #tpu.memory_space<hbm>> -> memref<1600x512xf32, #tpu.memory_space<hbm>>
    %dma_start3A_90 = arith.constant 0 : i32
    %dma_start3A_91 = tpu.memref_slice %dma_start3A_89[%mul3A_4, %dma_start3A_90] : memref<1600x512xf32, #tpu.memory_space<hbm>> -> memref<200x512xf32, #tpu.memory_space<hbm>>
    %dma_start3A_92 = arith.constant 0 : i32
    %dma_start3A_93 = arith.constant 0 : i32
    %dma_start3A_94 = tpu.memref_slice %arg3[%add3A_16, %dma_start3A_92, %dma_start3A_93] : memref<64x1600x512xf32, #tpu.memory_space<hbm>> -> memref<1x1600x512xf32, #tpu.memory_space<hbm>>
    %dma_start3A_95 = tpu.memref_squeeze %dma_start3A_94 : memref<1x1600x512xf32, #tpu.memory_space<hbm>> -> memref<1600x512xf32, #tpu.memory_space<hbm>>
    %dma_start3A_96 = arith.constant 0 : i32
    %dma_start3A_97 = tpu.memref_slice %dma_start3A_95[%mul3A_4, %dma_start3A_96] : memref<1600x512xf32, #tpu.memory_space<hbm>> -> memref<200x512xf32, #tpu.memory_space<hbm>>
    tpu.enqueue_dma source(%arg4 : memref<200x512xf32, #tpu.memory_space<vmem>>) target(%dma_start3A_97 : memref<200x512xf32, #tpu.memory_space<hbm>>) target_semaphore(%arg5 : memref<!tpu.dma_semaphore, #tpu.memory_space<semaphore_mem>>)
    %dma_start3A_98 = arith.constant 0 : i32
    %dma_start3A_99 = arith.constant 0 : i32
    %dma_start3A_100 = tpu.memref_slice %arg3[%add3A_18, %dma_start3A_98, %dma_start3A_99] : memref<64x1600x512xf32, #tpu.memory_space<hbm>> -> memref<1x1600x512xf32, #tpu.memory_space<hbm>>
    %dma_start3A_101 = tpu.memref_squeeze %dma_start3A_100 : memref<1x1600x512xf32, #tpu.memory_space<hbm>> -> memref<1600x512xf32, #tpu.memory_space<hbm>>
    %dma_start3A_102 = arith.constant 0 : i32
    %dma_start3A_103 = tpu.memref_slice %dma_start3A_101[%mul3A_4, %dma_start3A_102] : memref<1600x512xf32, #tpu.memory_space<hbm>> -> memref<200x512xf32, #tpu.memory_space<hbm>>
    %dma_start3A_104 = arith.constant 0 : i32
    %dma_start3A_105 = arith.constant 0 : i32
    %dma_start3A_106 = tpu.memref_slice %arg3[%add3A_18, %dma_start3A_104, %dma_start3A_105] : memref<64x1600x512xf32, #tpu.memory_space<hbm>> -> memref<1x1600x512xf32, #tpu.memory_space<hbm>>
    %dma_start3A_107 = tpu.memref_squeeze %dma_start3A_106 : memref<1x1600x512xf32, #tpu.memory_space<hbm>> -> memref<1600x512xf32, #tpu.memory_space<hbm>>
    %dma_start3A_108 = arith.constant 0 : i32
    %dma_start3A_109 = tpu.memref_slice %dma_start3A_107[%mul3A_4, %dma_start3A_108] : memref<1600x512xf32, #tpu.memory_space<hbm>> -> memref<200x512xf32, #tpu.memory_space<hbm>>
    tpu.enqueue_dma source(%arg4 : memref<200x512xf32, #tpu.memory_space<vmem>>) target(%dma_start3A_109 : memref<200x512xf32, #tpu.memory_space<hbm>>) target_semaphore(%arg5 : memref<!tpu.dma_semaphore, #tpu.memory_space<semaphore_mem>>)
    %dma_start3A_110 = arith.constant 0 : i32
    %dma_start3A_111 = arith.constant 0 : i32
    %dma_start3A_112 = tpu.memref_slice %arg3[%add3A_20, %dma_start3A_110, %dma_start3A_111] : memref<64x1600x512xf32, #tpu.memory_space<hbm>> -> memref<1x1600x512xf32, #tpu.memory_space<hbm>>
    %dma_start3A_113 = tpu.memref_squeeze %dma_start3A_112 : memref<1x1600x512xf32, #tpu.memory_space<hbm>> -> memref<1600x512xf32, #tpu.memory_space<hbm>>
    %dma_start3A_114 = arith.constant 0 : i32
    %dma_start3A_115 = tpu.memref_slice %dma_start3A_113[%mul3A_4, %dma_start3A_114] : memref<1600x512xf32, #tpu.memory_space<hbm>> -> memref<200x512xf32, #tpu.memory_space<hbm>>
    %dma_start3A_116 = arith.constant 0 : i32
    %dma_start3A_117 = arith.constant 0 : i32
    %dma_start3A_118 = tpu.memref_slice %arg3[%add3A_20, %dma_start3A_116, %dma_start3A_117] : memref<64x1600x512xf32, #tpu.memory_space<hbm>> -> memref<1x1600x512xf32, #tpu.memory_space<hbm>>
    %dma_start3A_119 = tpu.memref_squeeze %dma_start3A_118 : memref<1x1600x512xf32, #tpu.memory_space<hbm>> -> memref<1600x512xf32, #tpu.memory_space<hbm>>
    %dma_start3A_120 = arith.constant 0 : i32
    %dma_start3A_121 = tpu.memref_slice %dma_start3A_119[%mul3A_4, %dma_start3A_120] : memref<1600x512xf32, #tpu.memory_space<hbm>> -> memref<200x512xf32, #tpu.memory_space<hbm>>
    tpu.enqueue_dma source(%arg4 : memref<200x512xf32, #tpu.memory_space<vmem>>) target(%dma_start3A_121 : memref<200x512xf32, #tpu.memory_space<hbm>>) target_semaphore(%arg5 : memref<!tpu.dma_semaphore, #tpu.memory_space<semaphore_mem>>)
    %dma_start3A_122 = arith.constant 0 : i32
    %dma_start3A_123 = arith.constant 0 : i32
    %dma_start3A_124 = tpu.memref_slice %arg3[%add3A_22, %dma_start3A_122, %dma_start3A_123] : memref<64x1600x512xf32, #tpu.memory_space<hbm>> -> memref<1x1600x512xf32, #tpu.memory_space<hbm>>
    %dma_start3A_125 = tpu.memref_squeeze %dma_start3A_124 : memref<1x1600x512xf32, #tpu.memory_space<hbm>> -> memref<1600x512xf32, #tpu.memory_space<hbm>>
    %dma_start3A_126 = arith.constant 0 : i32
    %dma_start3A_127 = tpu.memref_slice %dma_start3A_125[%mul3A_4, %dma_start3A_126] : memref<1600x512xf32, #tpu.memory_space<hbm>> -> memref<200x512xf32, #tpu.memory_space<hbm>>
    %dma_start3A_128 = arith.constant 0 : i32
    %dma_start3A_129 = arith.constant 0 : i32
    %dma_start3A_130 = tpu.memref_slice %arg3[%add3A_22, %dma_start3A_128, %dma_start3A_129] : memref<64x1600x512xf32, #tpu.memory_space<hbm>> -> memref<1x1600x512xf32, #tpu.memory_space<hbm>>
    %dma_start3A_131 = tpu.memref_squeeze %dma_start3A_130 : memref<1x1600x512xf32, #tpu.memory_space<hbm>> -> memref<1600x512xf32, #tpu.memory_space<hbm>>
    %dma_start3A_132 = arith.constant 0 : i32
    %dma_start3A_133 = tpu.memref_slice %dma_start3A_131[%mul3A_4, %dma_start3A_132] : memref<1600x512xf32, #tpu.memory_space<hbm>> -> memref<200x512xf32, #tpu.memory_space<hbm>>
    tpu.enqueue_dma source(%arg4 : memref<200x512xf32, #tpu.memory_space<vmem>>) target(%dma_start3A_133 : memref<200x512xf32, #tpu.memory_space<hbm>>) target_semaphore(%arg5 : memref<!tpu.dma_semaphore, #tpu.memory_space<semaphore_mem>>)
    %dma_start3A_134 = arith.constant 0 : i32
    %dma_start3A_135 = arith.constant 0 : i32
    %dma_start3A_136 = tpu.memref_slice %arg3[%add3A_24, %dma_start3A_134, %dma_start3A_135] : memref<64x1600x512xf32, #tpu.memory_space<hbm>> -> memref<1x1600x512xf32, #tpu.memory_space<hbm>>
    %dma_start3A_137 = tpu.memref_squeeze %dma_start3A_136 : memref<1x1600x512xf32, #tpu.memory_space<hbm>> -> memref<1600x512xf32, #tpu.memory_space<hbm>>
    %dma_start3A_138 = arith.constant 0 : i32
    %dma_start3A_139 = tpu.memref_slice %dma_start3A_137[%mul3A_4, %dma_start3A_138] : memref<1600x512xf32, #tpu.memory_space<hbm>> -> memref<200x512xf32, #tpu.memory_space<hbm>>
    %dma_start3A_140 = arith.constant 0 : i32
    %dma_start3A_141 = arith.constant 0 : i32
    %dma_start3A_142 = tpu.memref_slice %arg3[%add3A_24, %dma_start3A_140, %dma_start3A_141] : memref<64x1600x512xf32, #tpu.memory_space<hbm>> -> memref<1x1600x512xf32, #tpu.memory_space<hbm>>
    %dma_start3A_143 = tpu.memref_squeeze %dma_start3A_142 : memref<1x1600x512xf32, #tpu.memory_space<hbm>> -> memref<1600x512xf32, #tpu.memory_space<hbm>>
    %dma_start3A_144 = arith.constant 0 : i32
    %dma_start3A_145 = tpu.memref_slice %dma_start3A_143[%mul3A_4, %dma_start3A_144] : memref<1600x512xf32, #tpu.memory_space<hbm>> -> memref<200x512xf32, #tpu.memory_space<hbm>>
    tpu.enqueue_dma source(%arg4 : memref<200x512xf32, #tpu.memory_space<vmem>>) target(%dma_start3A_145 : memref<200x512xf32, #tpu.memory_space<hbm>>) target_semaphore(%arg5 : memref<!tpu.dma_semaphore, #tpu.memory_space<semaphore_mem>>)
    %dma_start3A_146 = arith.constant 0 : i32
    %dma_start3A_147 = arith.constant 0 : i32
    %dma_start3A_148 = tpu.memref_slice %arg3[%add3A_26, %dma_start3A_146, %dma_start3A_147] : memref<64x1600x512xf32, #tpu.memory_space<hbm>> -> memref<1x1600x512xf32, #tpu.memory_space<hbm>>
    %dma_start3A_149 = tpu.memref_squeeze %dma_start3A_148 : memref<1x1600x512xf32, #tpu.memory_space<hbm>> -> memref<1600x512xf32, #tpu.memory_space<hbm>>
    %dma_start3A_150 = arith.constant 0 : i32
    %dma_start3A_151 = tpu.memref_slice %dma_start3A_149[%mul3A_4, %dma_start3A_150] : memref<1600x512xf32, #tpu.memory_space<hbm>> -> memref<200x512xf32, #tpu.memory_space<hbm>>
    %dma_start3A_152 = arith.constant 0 : i32
    %dma_start3A_153 = arith.constant 0 : i32
    %dma_start3A_154 = tpu.memref_slice %arg3[%add3A_26, %dma_start3A_152, %dma_start3A_153] : memref<64x1600x512xf32, #tpu.memory_space<hbm>> -> memref<1x1600x512xf32, #tpu.memory_space<hbm>>
    %dma_start3A_155 = tpu.memref_squeeze %dma_start3A_154 : memref<1x1600x512xf32, #tpu.memory_space<hbm>> -> memref<1600x512xf32, #tpu.memory_space<hbm>>
    %dma_start3A_156 = arith.constant 0 : i32
    %dma_start3A_157 = tpu.memref_slice %dma_start3A_155[%mul3A_4, %dma_start3A_156] : memref<1600x512xf32, #tpu.memory_space<hbm>> -> memref<200x512xf32, #tpu.memory_space<hbm>>
    tpu.enqueue_dma source(%arg4 : memref<200x512xf32, #tpu.memory_space<vmem>>) target(%dma_start3A_157 : memref<200x512xf32, #tpu.memory_space<hbm>>) target_semaphore(%arg5 : memref<!tpu.dma_semaphore, #tpu.memory_space<semaphore_mem>>)
    %dma_start3A_158 = arith.constant 0 : i32
    %dma_start3A_159 = arith.constant 0 : i32
    %dma_start3A_160 = tpu.memref_slice %arg3[%add3A_28, %dma_start3A_158, %dma_start3A_159] : memref<64x1600x512xf32, #tpu.memory_space<hbm>> -> memref<1x1600x512xf32, #tpu.memory_space<hbm>>
    %dma_start3A_161 = tpu.memref_squeeze %dma_start3A_160 : memref<1x1600x512xf32, #tpu.memory_space<hbm>> -> memref<1600x512xf32, #tpu.memory_space<hbm>>
    %dma_start3A_162 = arith.constant 0 : i32
    %dma_start3A_163 = tpu.memref_slice %dma_start3A_161[%mul3A_4, %dma_start3A_162] : memref<1600x512xf32, #tpu.memory_space<hbm>> -> memref<200x512xf32, #tpu.memory_space<hbm>>
    %dma_start3A_164 = arith.constant 0 : i32
    %dma_start3A_165 = arith.constant 0 : i32
    %dma_start3A_166 = tpu.memref_slice %arg3[%add3A_28, %dma_start3A_164, %dma_start3A_165] : memref<64x1600x512xf32, #tpu.memory_space<hbm>> -> memref<1x1600x512xf32, #tpu.memory_space<hbm>>
    %dma_start3A_167 = tpu.memref_squeeze %dma_start3A_166 : memref<1x1600x512xf32, #tpu.memory_space<hbm>> -> memref<1600x512xf32, #tpu.memory_space<hbm>>
    %dma_start3A_168 = arith.constant 0 : i32
    %dma_start3A_169 = tpu.memref_slice %dma_start3A_167[%mul3A_4, %dma_start3A_168] : memref<1600x512xf32, #tpu.memory_space<hbm>> -> memref<200x512xf32, #tpu.memory_space<hbm>>
    tpu.enqueue_dma source(%arg4 : memref<200x512xf32, #tpu.memory_space<vmem>>) target(%dma_start3A_169 : memref<200x512xf32, #tpu.memory_space<hbm>>) target_semaphore(%arg5 : memref<!tpu.dma_semaphore, #tpu.memory_space<semaphore_mem>>)
    %dma_start3A_170 = arith.constant 0 : i32
    %dma_start3A_171 = arith.constant 0 : i32
    %dma_start3A_172 = tpu.memref_slice %arg3[%add3A_30, %dma_start3A_170, %dma_start3A_171] : memref<64x1600x512xf32, #tpu.memory_space<hbm>> -> memref<1x1600x512xf32, #tpu.memory_space<hbm>>
    %dma_start3A_173 = tpu.memref_squeeze %dma_start3A_172 : memref<1x1600x512xf32, #tpu.memory_space<hbm>> -> memref<1600x512xf32, #tpu.memory_space<hbm>>
    %dma_start3A_174 = arith.constant 0 : i32
    %dma_start3A_175 = tpu.memref_slice %dma_start3A_173[%mul3A_4, %dma_start3A_174] : memref<1600x512xf32, #tpu.memory_space<hbm>> -> memref<200x512xf32, #tpu.memory_space<hbm>>
    %dma_start3A_176 = arith.constant 0 : i32
    %dma_start3A_177 = arith.constant 0 : i32
    %dma_start3A_178 = tpu.memref_slice %arg3[%add3A_30, %dma_start3A_176, %dma_start3A_177] : memref<64x1600x512xf32, #tpu.memory_space<hbm>> -> memref<1x1600x512xf32, #tpu.memory_space<hbm>>
    %dma_start3A_179 = tpu.memref_squeeze %dma_start3A_178 : memref<1x1600x512xf32, #tpu.memory_space<hbm>> -> memref<1600x512xf32, #tpu.memory_space<hbm>>
    %dma_start3A_180 = arith.constant 0 : i32
    %dma_start3A_181 = tpu.memref_slice %dma_start3A_179[%mul3A_4, %dma_start3A_180] : memref<1600x512xf32, #tpu.memory_space<hbm>> -> memref<200x512xf32, #tpu.memory_space<hbm>>
    tpu.enqueue_dma source(%arg4 : memref<200x512xf32, #tpu.memory_space<vmem>>) target(%dma_start3A_181 : memref<200x512xf32, #tpu.memory_space<hbm>>) target_semaphore(%arg5 : memref<!tpu.dma_semaphore, #tpu.memory_space<semaphore_mem>>)
    %dma_start3A_182 = arith.constant 0 : i32
    %dma_start3A_183 = arith.constant 0 : i32
    %dma_start3A_184 = tpu.memref_slice %arg3[%add3A_32, %dma_start3A_182, %dma_start3A_183] : memref<64x1600x512xf32, #tpu.memory_space<hbm>> -> memref<1x1600x512xf32, #tpu.memory_space<hbm>>
    %dma_start3A_185 = tpu.memref_squeeze %dma_start3A_184 : memref<1x1600x512xf32, #tpu.memory_space<hbm>> -> memref<1600x512xf32, #tpu.memory_space<hbm>>
    %dma_start3A_186 = arith.constant 0 : i32
    %dma_start3A_187 = tpu.memref_slice %dma_start3A_185[%mul3A_4, %dma_start3A_186] : memref<1600x512xf32, #tpu.memory_space<hbm>> -> memref<200x512xf32, #tpu.memory_space<hbm>>
    %dma_start3A_188 = arith.constant 0 : i32
    %dma_start3A_189 = arith.constant 0 : i32
    %dma_start3A_190 = tpu.memref_slice %arg3[%add3A_32, %dma_start3A_188, %dma_start3A_189] : memref<64x1600x512xf32, #tpu.memory_space<hbm>> -> memref<1x1600x512xf32, #tpu.memory_space<hbm>>
    %dma_start3A_191 = tpu.memref_squeeze %dma_start3A_190 : memref<1x1600x512xf32, #tpu.memory_space<hbm>> -> memref<1600x512xf32, #tpu.memory_space<hbm>>
    %dma_start3A_192 = arith.constant 0 : i32
    %dma_start3A_193 = tpu.memref_slice %dma_start3A_191[%mul3A_4, %dma_start3A_192] : memref<1600x512xf32, #tpu.memory_space<hbm>> -> memref<200x512xf32, #tpu.memory_space<hbm>>
    tpu.enqueue_dma source(%arg4 : memref<200x512xf32, #tpu.memory_space<vmem>>) target(%dma_start3A_193 : memref<200x512xf32, #tpu.memory_space<hbm>>) target_semaphore(%arg5 : memref<!tpu.dma_semaphore, #tpu.memory_space<semaphore_mem>>)
    %dma_start3A_194 = arith.constant 0 : i32
    %dma_start3A_195 = arith.constant 0 : i32
    %dma_start3A_196 = tpu.memref_slice %arg3[%add3A_34, %dma_start3A_194, %dma_start3A_195] : memref<64x1600x512xf32, #tpu.memory_space<hbm>> -> memref<1x1600x512xf32, #tpu.memory_space<hbm>>
    %dma_start3A_197 = tpu.memref_squeeze %dma_start3A_196 : memref<1x1600x512xf32, #tpu.memory_space<hbm>> -> memref<1600x512xf32, #tpu.memory_space<hbm>>
    %dma_start3A_198 = arith.constant 0 : i32
    %dma_start3A_199 = tpu.memref_slice %dma_start3A_197[%mul3A_4, %dma_start3A_198] : memref<1600x512xf32, #tpu.memory_space<hbm>> -> memref<200x512xf32, #tpu.memory_space<hbm>>
    %dma_start3A_200 = arith.constant 0 : i32
    %dma_start3A_201 = arith.constant 0 : i32
    %dma_start3A_202 = tpu.memref_slice %arg3[%add3A_34, %dma_start3A_200, %dma_start3A_201] : memref<64x1600x512xf32, #tpu.memory_space<hbm>> -> memref<1x1600x512xf32, #tpu.memory_space<hbm>>
    %dma_start3A_203 = tpu.memref_squeeze %dma_start3A_202 : memref<1x1600x512xf32, #tpu.memory_space<hbm>> -> memref<1600x512xf32, #tpu.memory_space<hbm>>
    %dma_start3A_204 = arith.constant 0 : i32
    %dma_start3A_205 = tpu.memref_slice %dma_start3A_203[%mul3A_4, %dma_start3A_204] : memref<1600x512xf32, #tpu.memory_space<hbm>> -> memref<200x512xf32, #tpu.memory_space<hbm>>
    tpu.enqueue_dma source(%arg4 : memref<200x512xf32, #tpu.memory_space<vmem>>) target(%dma_start3A_205 : memref<200x512xf32, #tpu.memory_space<hbm>>) target_semaphore(%arg5 : memref<!tpu.dma_semaphore, #tpu.memory_space<semaphore_mem>>)
    %dma_start3A_206 = arith.constant 0 : i32
    %dma_start3A_207 = arith.constant 0 : i32
    %dma_start3A_208 = tpu.memref_slice %arg3[%add3A_36, %dma_start3A_206, %dma_start3A_207] : memref<64x1600x512xf32, #tpu.memory_space<hbm>> -> memref<1x1600x512xf32, #tpu.memory_space<hbm>>
    %dma_start3A_209 = tpu.memref_squeeze %dma_start3A_208 : memref<1x1600x512xf32, #tpu.memory_space<hbm>> -> memref<1600x512xf32, #tpu.memory_space<hbm>>
    %dma_start3A_210 = arith.constant 0 : i32
    %dma_start3A_211 = tpu.memref_slice %dma_start3A_209[%mul3A_4, %dma_start3A_210] : memref<1600x512xf32, #tpu.memory_space<hbm>> -> memref<200x512xf32, #tpu.memory_space<hbm>>
    %dma_start3A_212 = arith.constant 0 : i32
    %dma_start3A_213 = arith.constant 0 : i32
    %dma_start3A_214 = tpu.memref_slice %arg3[%add3A_36, %dma_start3A_212, %dma_start3A_213] : memref<64x1600x512xf32, #tpu.memory_space<hbm>> -> memref<1x1600x512xf32, #tpu.memory_space<hbm>>
    %dma_start3A_215 = tpu.memref_squeeze %dma_start3A_214 : memref<1x1600x512xf32, #tpu.memory_space<hbm>> -> memref<1600x512xf32, #tpu.memory_space<hbm>>
    %dma_start3A_216 = arith.constant 0 : i32
    %dma_start3A_217 = tpu.memref_slice %dma_start3A_215[%mul3A_4, %dma_start3A_216] : memref<1600x512xf32, #tpu.memory_space<hbm>> -> memref<200x512xf32, #tpu.memory_space<hbm>>
    tpu.enqueue_dma source(%arg4 : memref<200x512xf32, #tpu.memory_space<vmem>>) target(%dma_start3A_217 : memref<200x512xf32, #tpu.memory_space<hbm>>) target_semaphore(%arg5 : memref<!tpu.dma_semaphore, #tpu.memory_space<semaphore_mem>>)
    %dma_start3A_218 = arith.constant 0 : i32
    %dma_start3A_219 = arith.constant 0 : i32
    %dma_start3A_220 = tpu.memref_slice %arg3[%add3A_38, %dma_start3A_218, %dma_start3A_219] : memref<64x1600x512xf32, #tpu.memory_space<hbm>> -> memref<1x1600x512xf32, #tpu.memory_space<hbm>>
    %dma_start3A_221 = tpu.memref_squeeze %dma_start3A_220 : memref<1x1600x512xf32, #tpu.memory_space<hbm>> -> memref<1600x512xf32, #tpu.memory_space<hbm>>
    %dma_start3A_222 = arith.constant 0 : i32
    %dma_start3A_223 = tpu.memref_slice %dma_start3A_221[%mul3A_4, %dma_start3A_222] : memref<1600x512xf32, #tpu.memory_space<hbm>> -> memref<200x512xf32, #tpu.memory_space<hbm>>
    %dma_start3A_224 = arith.constant 0 : i32
    %dma_start3A_225 = arith.constant 0 : i32
    %dma_start3A_226 = tpu.memref_slice %arg3[%add3A_38, %dma_start3A_224, %dma_start3A_225] : memref<64x1600x512xf32, #tpu.memory_space<hbm>> -> memref<1x1600x512xf32, #tpu.memory_space<hbm>>
    %dma_start3A_227 = tpu.memref_squeeze %dma_start3A_226 : memref<1x1600x512xf32, #tpu.memory_space<hbm>> -> memref<1600x512xf32, #tpu.memory_space<hbm>>
    %dma_start3A_228 = arith.constant 0 : i32
    %dma_start3A_229 = tpu.memref_slice %dma_start3A_227[%mul3A_4, %dma_start3A_228] : memref<1600x512xf32, #tpu.memory_space<hbm>> -> memref<200x512xf32, #tpu.memory_space<hbm>>
    tpu.enqueue_dma source(%arg4 : memref<200x512xf32, #tpu.memory_space<vmem>>) target(%dma_start3A_229 : memref<200x512xf32, #tpu.memory_space<hbm>>) target_semaphore(%arg5 : memref<!tpu.dma_semaphore, #tpu.memory_space<semaphore_mem>>)
    %dma_wait3A = arith.constant 0 : i32
    %dma_wait3A_230 = arith.constant 0 : i32
    %dma_wait3A_231 = tpu.memref_slice %arg3[%add3A_8, %dma_wait3A, %dma_wait3A_230] : memref<64x1600x512xf32, #tpu.memory_space<hbm>> -> memref<1x1600x512xf32, #tpu.memory_space<hbm>>
    %dma_wait3A_232 = tpu.memref_squeeze %dma_wait3A_231 : memref<1x1600x512xf32, #tpu.memory_space<hbm>> -> memref<1600x512xf32, #tpu.memory_space<hbm>>
    %dma_wait3A_233 = arith.constant 0 : i32
    %dma_wait3A_234 = tpu.memref_slice %dma_wait3A_232[%mul3A_4, %dma_wait3A_233] : memref<1600x512xf32, #tpu.memory_space<hbm>> -> memref<200x512xf32, #tpu.memory_space<hbm>>
    %dma_wait3A_235 = arith.constant 0 : i32
    %dma_wait3A_236 = arith.constant 0 : i32
    %dma_wait3A_237 = tpu.memref_slice %arg3[%add3A_8, %dma_wait3A_235, %dma_wait3A_236] : memref<64x1600x512xf32, #tpu.memory_space<hbm>> -> memref<1x1600x512xf32, #tpu.memory_space<hbm>>
    %dma_wait3A_238 = tpu.memref_squeeze %dma_wait3A_237 : memref<1x1600x512xf32, #tpu.memory_space<hbm>> -> memref<1600x512xf32, #tpu.memory_space<hbm>>
    %dma_wait3A_239 = arith.constant 0 : i32
    %dma_wait3A_240 = tpu.memref_slice %dma_wait3A_238[%mul3A_4, %dma_wait3A_239] : memref<1600x512xf32, #tpu.memory_space<hbm>> -> memref<200x512xf32, #tpu.memory_space<hbm>>
    tpu.wait_dma2 semaphore(%arg5 : memref<!tpu.dma_semaphore, #tpu.memory_space<semaphore_mem>>) src(%arg4 : memref<200x512xf32, #tpu.memory_space<vmem>>) dst(%dma_wait3A_240 : memref<200x512xf32, #tpu.memory_space<hbm>>)
    %dma_wait3A_241 = arith.constant 0 : i32
    %dma_wait3A_242 = arith.constant 0 : i32
    %dma_wait3A_243 = tpu.memref_slice %arg3[%add3A_10, %dma_wait3A_241, %dma_wait3A_242] : memref<64x1600x512xf32, #tpu.memory_space<hbm>> -> memref<1x1600x512xf32, #tpu.memory_space<hbm>>
    %dma_wait3A_244 = tpu.memref_squeeze %dma_wait3A_243 : memref<1x1600x512xf32, #tpu.memory_space<hbm>> -> memref<1600x512xf32, #tpu.memory_space<hbm>>
    %dma_wait3A_245 = arith.constant 0 : i32
    %dma_wait3A_246 = tpu.memref_slice %dma_wait3A_244[%mul3A_4, %dma_wait3A_245] : memref<1600x512xf32, #tpu.memory_space<hbm>> -> memref<200x512xf32, #tpu.memory_space<hbm>>
    %dma_wait3A_247 = arith.constant 0 : i32
    %dma_wait3A_248 = arith.constant 0 : i32
    %dma_wait3A_249 = tpu.memref_slice %arg3[%add3A_10, %dma_wait3A_247, %dma_wait3A_248] : memref<64x1600x512xf32, #tpu.memory_space<hbm>> -> memref<1x1600x512xf32, #tpu.memory_space<hbm>>
    %dma_wait3A_250 = tpu.memref_squeeze %dma_wait3A_249 : memref<1x1600x512xf32, #tpu.memory_space<hbm>> -> memref<1600x512xf32, #tpu.memory_space<hbm>>
    %dma_wait3A_251 = arith.constant 0 : i32
    %dma_wait3A_252 = tpu.memref_slice %dma_wait3A_250[%mul3A_4, %dma_wait3A_251] : memref<1600x512xf32, #tpu.memory_space<hbm>> -> memref<200x512xf32, #tpu.memory_space<hbm>>
    tpu.wait_dma2 semaphore(%arg5 : memref<!tpu.dma_semaphore, #tpu.memory_space<semaphore_mem>>) src(%arg4 : memref<200x512xf32, #tpu.memory_space<vmem>>) dst(%dma_wait3A_252 : memref<200x512xf32, #tpu.memory_space<hbm>>)
    %dma_wait3A_253 = arith.constant 0 : i32
    %dma_wait3A_254 = arith.constant 0 : i32
    %dma_wait3A_255 = tpu.memref_slice %arg3[%add3A_12, %dma_wait3A_253, %dma_wait3A_254] : memref<64x1600x512xf32, #tpu.memory_space<hbm>> -> memref<1x1600x512xf32, #tpu.memory_space<hbm>>
    %dma_wait3A_256 = tpu.memref_squeeze %dma_wait3A_255 : memref<1x1600x512xf32, #tpu.memory_space<hbm>> -> memref<1600x512xf32, #tpu.memory_space<hbm>>
    %dma_wait3A_257 = arith.constant 0 : i32
    %dma_wait3A_258 = tpu.memref_slice %dma_wait3A_256[%mul3A_4, %dma_wait3A_257] : memref<1600x512xf32, #tpu.memory_space<hbm>> -> memref<200x512xf32, #tpu.memory_space<hbm>>
    %dma_wait3A_259 = arith.constant 0 : i32
    %dma_wait3A_260 = arith.constant 0 : i32
    %dma_wait3A_261 = tpu.memref_slice %arg3[%add3A_12, %dma_wait3A_259, %dma_wait3A_260] : memref<64x1600x512xf32, #tpu.memory_space<hbm>> -> memref<1x1600x512xf32, #tpu.memory_space<hbm>>
    %dma_wait3A_262 = tpu.memref_squeeze %dma_wait3A_261 : memref<1x1600x512xf32, #tpu.memory_space<hbm>> -> memref<1600x512xf32, #tpu.memory_space<hbm>>
    %dma_wait3A_263 = arith.constant 0 : i32
    %dma_wait3A_264 = tpu.memref_slice %dma_wait3A_262[%mul3A_4, %dma_wait3A_263] : memref<1600x512xf32, #tpu.memory_space<hbm>> -> memref<200x512xf32, #tpu.memory_space<hbm>>
    tpu.wait_dma2 semaphore(%arg5 : memref<!tpu.dma_semaphore, #tpu.memory_space<semaphore_mem>>) src(%arg4 : memref<200x512xf32, #tpu.memory_space<vmem>>) dst(%dma_wait3A_264 : memref<200x512xf32, #tpu.memory_space<hbm>>)
    %dma_wait3A_265 = arith.constant 0 : i32
    %dma_wait3A_266 = arith.constant 0 : i32
    %dma_wait3A_267 = tpu.memref_slice %arg3[%add3A_14, %dma_wait3A_265, %dma_wait3A_266] : memref<64x1600x512xf32, #tpu.memory_space<hbm>> -> memref<1x1600x512xf32, #tpu.memory_space<hbm>>
    %dma_wait3A_268 = tpu.memref_squeeze %dma_wait3A_267 : memref<1x1600x512xf32, #tpu.memory_space<hbm>> -> memref<1600x512xf32, #tpu.memory_space<hbm>>
    %dma_wait3A_269 = arith.constant 0 : i32
    %dma_wait3A_270 = tpu.memref_slice %dma_wait3A_268[%mul3A_4, %dma_wait3A_269] : memref<1600x512xf32, #tpu.memory_space<hbm>> -> memref<200x512xf32, #tpu.memory_space<hbm>>
    %dma_wait3A_271 = arith.constant 0 : i32
    %dma_wait3A_272 = arith.constant 0 : i32
    %dma_wait3A_273 = tpu.memref_slice %arg3[%add3A_14, %dma_wait3A_271, %dma_wait3A_272] : memref<64x1600x512xf32, #tpu.memory_space<hbm>> -> memref<1x1600x512xf32, #tpu.memory_space<hbm>>
    %dma_wait3A_274 = tpu.memref_squeeze %dma_wait3A_273 : memref<1x1600x512xf32, #tpu.memory_space<hbm>> -> memref<1600x512xf32, #tpu.memory_space<hbm>>
    %dma_wait3A_275 = arith.constant 0 : i32
    %dma_wait3A_276 = tpu.memref_slice %dma_wait3A_274[%mul3A_4, %dma_wait3A_275] : memref<1600x512xf32, #tpu.memory_space<hbm>> -> memref<200x512xf32, #tpu.memory_space<hbm>>
    tpu.wait_dma2 semaphore(%arg5 : memref<!tpu.dma_semaphore, #tpu.memory_space<semaphore_mem>>) src(%arg4 : memref<200x512xf32, #tpu.memory_space<vmem>>) dst(%dma_wait3A_276 : memref<200x512xf32, #tpu.memory_space<hbm>>)
    %dma_wait3A_277 = arith.constant 0 : i32
    %dma_wait3A_278 = arith.constant 0 : i32
    %dma_wait3A_279 = tpu.memref_slice %arg3[%add3A_16, %dma_wait3A_277, %dma_wait3A_278] : memref<64x1600x512xf32, #tpu.memory_space<hbm>> -> memref<1x1600x512xf32, #tpu.memory_space<hbm>>
    %dma_wait3A_280 = tpu.memref_squeeze %dma_wait3A_279 : memref<1x1600x512xf32, #tpu.memory_space<hbm>> -> memref<1600x512xf32, #tpu.memory_space<hbm>>
    %dma_wait3A_281 = arith.constant 0 : i32
    %dma_wait3A_282 = tpu.memref_slice %dma_wait3A_280[%mul3A_4, %dma_wait3A_281] : memref<1600x512xf32, #tpu.memory_space<hbm>> -> memref<200x512xf32, #tpu.memory_space<hbm>>
    %dma_wait3A_283 = arith.constant 0 : i32
    %dma_wait3A_284 = arith.constant 0 : i32
    %dma_wait3A_285 = tpu.memref_slice %arg3[%add3A_16, %dma_wait3A_283, %dma_wait3A_284] : memref<64x1600x512xf32, #tpu.memory_space<hbm>> -> memref<1x1600x512xf32, #tpu.memory_space<hbm>>
    %dma_wait3A_286 = tpu.memref_squeeze %dma_wait3A_285 : memref<1x1600x512xf32, #tpu.memory_space<hbm>> -> memref<1600x512xf32, #tpu.memory_space<hbm>>
    %dma_wait3A_287 = arith.constant 0 : i32
    %dma_wait3A_288 = tpu.memref_slice %dma_wait3A_286[%mul3A_4, %dma_wait3A_287] : memref<1600x512xf32, #tpu.memory_space<hbm>> -> memref<200x512xf32, #tpu.memory_space<hbm>>
    tpu.wait_dma2 semaphore(%arg5 : memref<!tpu.dma_semaphore, #tpu.memory_space<semaphore_mem>>) src(%arg4 : memref<200x512xf32, #tpu.memory_space<vmem>>) dst(%dma_wait3A_288 : memref<200x512xf32, #tpu.memory_space<hbm>>)
    %dma_wait3A_289 = arith.constant 0 : i32
    %dma_wait3A_290 = arith.constant 0 : i32
    %dma_wait3A_291 = tpu.memref_slice %arg3[%add3A_18, %dma_wait3A_289, %dma_wait3A_290] : memref<64x1600x512xf32, #tpu.memory_space<hbm>> -> memref<1x1600x512xf32, #tpu.memory_space<hbm>>
    %dma_wait3A_292 = tpu.memref_squeeze %dma_wait3A_291 : memref<1x1600x512xf32, #tpu.memory_space<hbm>> -> memref<1600x512xf32, #tpu.memory_space<hbm>>
    %dma_wait3A_293 = arith.constant 0 : i32
    %dma_wait3A_294 = tpu.memref_slice %dma_wait3A_292[%mul3A_4, %dma_wait3A_293] : memref<1600x512xf32, #tpu.memory_space<hbm>> -> memref<200x512xf32, #tpu.memory_space<hbm>>
    %dma_wait3A_295 = arith.constant 0 : i32
    %dma_wait3A_296 = arith.constant 0 : i32
    %dma_wait3A_297 = tpu.memref_slice %arg3[%add3A_18, %dma_wait3A_295, %dma_wait3A_296] : memref<64x1600x512xf32, #tpu.memory_space<hbm>> -> memref<1x1600x512xf32, #tpu.memory_space<hbm>>
    %dma_wait3A_298 = tpu.memref_squeeze %dma_wait3A_297 : memref<1x1600x512xf32, #tpu.memory_space<hbm>> -> memref<1600x512xf32, #tpu.memory_space<hbm>>
    %dma_wait3A_299 = arith.constant 0 : i32
    %dma_wait3A_300 = tpu.memref_slice %dma_wait3A_298[%mul3A_4, %dma_wait3A_299] : memref<1600x512xf32, #tpu.memory_space<hbm>> -> memref<200x512xf32, #tpu.memory_space<hbm>>
    tpu.wait_dma2 semaphore(%arg5 : memref<!tpu.dma_semaphore, #tpu.memory_space<semaphore_mem>>) src(%arg4 : memref<200x512xf32, #tpu.memory_space<vmem>>) dst(%dma_wait3A_300 : memref<200x512xf32, #tpu.memory_space<hbm>>)
    %dma_wait3A_301 = arith.constant 0 : i32
    %dma_wait3A_302 = arith.constant 0 : i32
    %dma_wait3A_303 = tpu.memref_slice %arg3[%add3A_20, %dma_wait3A_301, %dma_wait3A_302] : memref<64x1600x512xf32, #tpu.memory_space<hbm>> -> memref<1x1600x512xf32, #tpu.memory_space<hbm>>
    %dma_wait3A_304 = tpu.memref_squeeze %dma_wait3A_303 : memref<1x1600x512xf32, #tpu.memory_space<hbm>> -> memref<1600x512xf32, #tpu.memory_space<hbm>>
    %dma_wait3A_305 = arith.constant 0 : i32
    %dma_wait3A_306 = tpu.memref_slice %dma_wait3A_304[%mul3A_4, %dma_wait3A_305] : memref<1600x512xf32, #tpu.memory_space<hbm>> -> memref<200x512xf32, #tpu.memory_space<hbm>>
    %dma_wait3A_307 = arith.constant 0 : i32
    %dma_wait3A_308 = arith.constant 0 : i32
    %dma_wait3A_309 = tpu.memref_slice %arg3[%add3A_20, %dma_wait3A_307, %dma_wait3A_308] : memref<64x1600x512xf32, #tpu.memory_space<hbm>> -> memref<1x1600x512xf32, #tpu.memory_space<hbm>>
    %dma_wait3A_310 = tpu.memref_squeeze %dma_wait3A_309 : memref<1x1600x512xf32, #tpu.memory_space<hbm>> -> memref<1600x512xf32, #tpu.memory_space<hbm>>
    %dma_wait3A_311 = arith.constant 0 : i32
    %dma_wait3A_312 = tpu.memref_slice %dma_wait3A_310[%mul3A_4, %dma_wait3A_311] : memref<1600x512xf32, #tpu.memory_space<hbm>> -> memref<200x512xf32, #tpu.memory_space<hbm>>
    tpu.wait_dma2 semaphore(%arg5 : memref<!tpu.dma_semaphore, #tpu.memory_space<semaphore_mem>>) src(%arg4 : memref<200x512xf32, #tpu.memory_space<vmem>>) dst(%dma_wait3A_312 : memref<200x512xf32, #tpu.memory_space<hbm>>)
    %dma_wait3A_313 = arith.constant 0 : i32
    %dma_wait3A_314 = arith.constant 0 : i32
    %dma_wait3A_315 = tpu.memref_slice %arg3[%add3A_22, %dma_wait3A_313, %dma_wait3A_314] : memref<64x1600x512xf32, #tpu.memory_space<hbm>> -> memref<1x1600x512xf32, #tpu.memory_space<hbm>>
    %dma_wait3A_316 = tpu.memref_squeeze %dma_wait3A_315 : memref<1x1600x512xf32, #tpu.memory_space<hbm>> -> memref<1600x512xf32, #tpu.memory_space<hbm>>
    %dma_wait3A_317 = arith.constant 0 : i32
    %dma_wait3A_318 = tpu.memref_slice %dma_wait3A_316[%mul3A_4, %dma_wait3A_317] : memref<1600x512xf32, #tpu.memory_space<hbm>> -> memref<200x512xf32, #tpu.memory_space<hbm>>
    %dma_wait3A_319 = arith.constant 0 : i32
    %dma_wait3A_320 = arith.constant 0 : i32
    %dma_wait3A_321 = tpu.memref_slice %arg3[%add3A_22, %dma_wait3A_319, %dma_wait3A_320] : memref<64x1600x512xf32, #tpu.memory_space<hbm>> -> memref<1x1600x512xf32, #tpu.memory_space<hbm>>
    %dma_wait3A_322 = tpu.memref_squeeze %dma_wait3A_321 : memref<1x1600x512xf32, #tpu.memory_space<hbm>> -> memref<1600x512xf32, #tpu.memory_space<hbm>>
    %dma_wait3A_323 = arith.constant 0 : i32
    %dma_wait3A_324 = tpu.memref_slice %dma_wait3A_322[%mul3A_4, %dma_wait3A_323] : memref<1600x512xf32, #tpu.memory_space<hbm>> -> memref<200x512xf32, #tpu.memory_space<hbm>>
    tpu.wait_dma2 semaphore(%arg5 : memref<!tpu.dma_semaphore, #tpu.memory_space<semaphore_mem>>) src(%arg4 : memref<200x512xf32, #tpu.memory_space<vmem>>) dst(%dma_wait3A_324 : memref<200x512xf32, #tpu.memory_space<hbm>>)
    %dma_wait3A_325 = arith.constant 0 : i32
    %dma_wait3A_326 = arith.constant 0 : i32
    %dma_wait3A_327 = tpu.memref_slice %arg3[%add3A_24, %dma_wait3A_325, %dma_wait3A_326] : memref<64x1600x512xf32, #tpu.memory_space<hbm>> -> memref<1x1600x512xf32, #tpu.memory_space<hbm>>
    %dma_wait3A_328 = tpu.memref_squeeze %dma_wait3A_327 : memref<1x1600x512xf32, #tpu.memory_space<hbm>> -> memref<1600x512xf32, #tpu.memory_space<hbm>>
    %dma_wait3A_329 = arith.constant 0 : i32
    %dma_wait3A_330 = tpu.memref_slice %dma_wait3A_328[%mul3A_4, %dma_wait3A_329] : memref<1600x512xf32, #tpu.memory_space<hbm>> -> memref<200x512xf32, #tpu.memory_space<hbm>>
    %dma_wait3A_331 = arith.constant 0 : i32
    %dma_wait3A_332 = arith.constant 0 : i32
    %dma_wait3A_333 = tpu.memref_slice %arg3[%add3A_24, %dma_wait3A_331, %dma_wait3A_332] : memref<64x1600x512xf32, #tpu.memory_space<hbm>> -> memref<1x1600x512xf32, #tpu.memory_space<hbm>>
    %dma_wait3A_334 = tpu.memref_squeeze %dma_wait3A_333 : memref<1x1600x512xf32, #tpu.memory_space<hbm>> -> memref<1600x512xf32, #tpu.memory_space<hbm>>
    %dma_wait3A_335 = arith.constant 0 : i32
    %dma_wait3A_336 = tpu.memref_slice %dma_wait3A_334[%mul3A_4, %dma_wait3A_335] : memref<1600x512xf32, #tpu.memory_space<hbm>> -> memref<200x512xf32, #tpu.memory_space<hbm>>
    tpu.wait_dma2 semaphore(%arg5 : memref<!tpu.dma_semaphore, #tpu.memory_space<semaphore_mem>>) src(%arg4 : memref<200x512xf32, #tpu.memory_space<vmem>>) dst(%dma_wait3A_336 : memref<200x512xf32, #tpu.memory_space<hbm>>)
    %dma_wait3A_337 = arith.constant 0 : i32
    %dma_wait3A_338 = arith.constant 0 : i32
    %dma_wait3A_339 = tpu.memref_slice %arg3[%add3A_26, %dma_wait3A_337, %dma_wait3A_338] : memref<64x1600x512xf32, #tpu.memory_space<hbm>> -> memref<1x1600x512xf32, #tpu.memory_space<hbm>>
    %dma_wait3A_340 = tpu.memref_squeeze %dma_wait3A_339 : memref<1x1600x512xf32, #tpu.memory_space<hbm>> -> memref<1600x512xf32, #tpu.memory_space<hbm>>
    %dma_wait3A_341 = arith.constant 0 : i32
    %dma_wait3A_342 = tpu.memref_slice %dma_wait3A_340[%mul3A_4, %dma_wait3A_341] : memref<1600x512xf32, #tpu.memory_space<hbm>> -> memref<200x512xf32, #tpu.memory_space<hbm>>
    %dma_wait3A_343 = arith.constant 0 : i32
    %dma_wait3A_344 = arith.constant 0 : i32
    %dma_wait3A_345 = tpu.memref_slice %arg3[%add3A_26, %dma_wait3A_343, %dma_wait3A_344] : memref<64x1600x512xf32, #tpu.memory_space<hbm>> -> memref<1x1600x512xf32, #tpu.memory_space<hbm>>
    %dma_wait3A_346 = tpu.memref_squeeze %dma_wait3A_345 : memref<1x1600x512xf32, #tpu.memory_space<hbm>> -> memref<1600x512xf32, #tpu.memory_space<hbm>>
    %dma_wait3A_347 = arith.constant 0 : i32
    %dma_wait3A_348 = tpu.memref_slice %dma_wait3A_346[%mul3A_4, %dma_wait3A_347] : memref<1600x512xf32, #tpu.memory_space<hbm>> -> memref<200x512xf32, #tpu.memory_space<hbm>>
    tpu.wait_dma2 semaphore(%arg5 : memref<!tpu.dma_semaphore, #tpu.memory_space<semaphore_mem>>) src(%arg4 : memref<200x512xf32, #tpu.memory_space<vmem>>) dst(%dma_wait3A_348 : memref<200x512xf32, #tpu.memory_space<hbm>>)
    %dma_wait3A_349 = arith.constant 0 : i32
    %dma_wait3A_350 = arith.constant 0 : i32
    %dma_wait3A_351 = tpu.memref_slice %arg3[%add3A_28, %dma_wait3A_349, %dma_wait3A_350] : memref<64x1600x512xf32, #tpu.memory_space<hbm>> -> memref<1x1600x512xf32, #tpu.memory_space<hbm>>
    %dma_wait3A_352 = tpu.memref_squeeze %dma_wait3A_351 : memref<1x1600x512xf32, #tpu.memory_space<hbm>> -> memref<1600x512xf32, #tpu.memory_space<hbm>>
    %dma_wait3A_353 = arith.constant 0 : i32
    %dma_wait3A_354 = tpu.memref_slice %dma_wait3A_352[%mul3A_4, %dma_wait3A_353] : memref<1600x512xf32, #tpu.memory_space<hbm>> -> memref<200x512xf32, #tpu.memory_space<hbm>>
    %dma_wait3A_355 = arith.constant 0 : i32
    %dma_wait3A_356 = arith.constant 0 : i32
    %dma_wait3A_357 = tpu.memref_slice %arg3[%add3A_28, %dma_wait3A_355, %dma_wait3A_356] : memref<64x1600x512xf32, #tpu.memory_space<hbm>> -> memref<1x1600x512xf32, #tpu.memory_space<hbm>>
    %dma_wait3A_358 = tpu.memref_squeeze %dma_wait3A_357 : memref<1x1600x512xf32, #tpu.memory_space<hbm>> -> memref<1600x512xf32, #tpu.memory_space<hbm>>
    %dma_wait3A_359 = arith.constant 0 : i32
    %dma_wait3A_360 = tpu.memref_slice %dma_wait3A_358[%mul3A_4, %dma_wait3A_359] : memref<1600x512xf32, #tpu.memory_space<hbm>> -> memref<200x512xf32, #tpu.memory_space<hbm>>
    tpu.wait_dma2 semaphore(%arg5 : memref<!tpu.dma_semaphore, #tpu.memory_space<semaphore_mem>>) src(%arg4 : memref<200x512xf32, #tpu.memory_space<vmem>>) dst(%dma_wait3A_360 : memref<200x512xf32, #tpu.memory_space<hbm>>)
    %dma_wait3A_361 = arith.constant 0 : i32
    %dma_wait3A_362 = arith.constant 0 : i32
    %dma_wait3A_363 = tpu.memref_slice %arg3[%add3A_30, %dma_wait3A_361, %dma_wait3A_362] : memref<64x1600x512xf32, #tpu.memory_space<hbm>> -> memref<1x1600x512xf32, #tpu.memory_space<hbm>>
    %dma_wait3A_364 = tpu.memref_squeeze %dma_wait3A_363 : memref<1x1600x512xf32, #tpu.memory_space<hbm>> -> memref<1600x512xf32, #tpu.memory_space<hbm>>
    %dma_wait3A_365 = arith.constant 0 : i32
    %dma_wait3A_366 = tpu.memref_slice %dma_wait3A_364[%mul3A_4, %dma_wait3A_365] : memref<1600x512xf32, #tpu.memory_space<hbm>> -> memref<200x512xf32, #tpu.memory_space<hbm>>
    %dma_wait3A_367 = arith.constant 0 : i32
    %dma_wait3A_368 = arith.constant 0 : i32
    %dma_wait3A_369 = tpu.memref_slice %arg3[%add3A_30, %dma_wait3A_367, %dma_wait3A_368] : memref<64x1600x512xf32, #tpu.memory_space<hbm>> -> memref<1x1600x512xf32, #tpu.memory_space<hbm>>
    %dma_wait3A_370 = tpu.memref_squeeze %dma_wait3A_369 : memref<1x1600x512xf32, #tpu.memory_space<hbm>> -> memref<1600x512xf32, #tpu.memory_space<hbm>>
    %dma_wait3A_371 = arith.constant 0 : i32
    %dma_wait3A_372 = tpu.memref_slice %dma_wait3A_370[%mul3A_4, %dma_wait3A_371] : memref<1600x512xf32, #tpu.memory_space<hbm>> -> memref<200x512xf32, #tpu.memory_space<hbm>>
    tpu.wait_dma2 semaphore(%arg5 : memref<!tpu.dma_semaphore, #tpu.memory_space<semaphore_mem>>) src(%arg4 : memref<200x512xf32, #tpu.memory_space<vmem>>) dst(%dma_wait3A_372 : memref<200x512xf32, #tpu.memory_space<hbm>>)
    %dma_wait3A_373 = arith.constant 0 : i32
    %dma_wait3A_374 = arith.constant 0 : i32
    %dma_wait3A_375 = tpu.memref_slice %arg3[%add3A_32, %dma_wait3A_373, %dma_wait3A_374] : memref<64x1600x512xf32, #tpu.memory_space<hbm>> -> memref<1x1600x512xf32, #tpu.memory_space<hbm>>
    %dma_wait3A_376 = tpu.memref_squeeze %dma_wait3A_375 : memref<1x1600x512xf32, #tpu.memory_space<hbm>> -> memref<1600x512xf32, #tpu.memory_space<hbm>>
    %dma_wait3A_377 = arith.constant 0 : i32
    %dma_wait3A_378 = tpu.memref_slice %dma_wait3A_376[%mul3A_4, %dma_wait3A_377] : memref<1600x512xf32, #tpu.memory_space<hbm>> -> memref<200x512xf32, #tpu.memory_space<hbm>>
    %dma_wait3A_379 = arith.constant 0 : i32
    %dma_wait3A_380 = arith.constant 0 : i32
    %dma_wait3A_381 = tpu.memref_slice %arg3[%add3A_32, %dma_wait3A_379, %dma_wait3A_380] : memref<64x1600x512xf32, #tpu.memory_space<hbm>> -> memref<1x1600x512xf32, #tpu.memory_space<hbm>>
    %dma_wait3A_382 = tpu.memref_squeeze %dma_wait3A_381 : memref<1x1600x512xf32, #tpu.memory_space<hbm>> -> memref<1600x512xf32, #tpu.memory_space<hbm>>
    %dma_wait3A_383 = arith.constant 0 : i32
    %dma_wait3A_384 = tpu.memref_slice %dma_wait3A_382[%mul3A_4, %dma_wait3A_383] : memref<1600x512xf32, #tpu.memory_space<hbm>> -> memref<200x512xf32, #tpu.memory_space<hbm>>
    tpu.wait_dma2 semaphore(%arg5 : memref<!tpu.dma_semaphore, #tpu.memory_space<semaphore_mem>>) src(%arg4 : memref<200x512xf32, #tpu.memory_space<vmem>>) dst(%dma_wait3A_384 : memref<200x512xf32, #tpu.memory_space<hbm>>)
    %dma_wait3A_385 = arith.constant 0 : i32
    %dma_wait3A_386 = arith.constant 0 : i32
    %dma_wait3A_387 = tpu.memref_slice %arg3[%add3A_34, %dma_wait3A_385, %dma_wait3A_386] : memref<64x1600x512xf32, #tpu.memory_space<hbm>> -> memref<1x1600x512xf32, #tpu.memory_space<hbm>>
    %dma_wait3A_388 = tpu.memref_squeeze %dma_wait3A_387 : memref<1x1600x512xf32, #tpu.memory_space<hbm>> -> memref<1600x512xf32, #tpu.memory_space<hbm>>
    %dma_wait3A_389 = arith.constant 0 : i32
    %dma_wait3A_390 = tpu.memref_slice %dma_wait3A_388[%mul3A_4, %dma_wait3A_389] : memref<1600x512xf32, #tpu.memory_space<hbm>> -> memref<200x512xf32, #tpu.memory_space<hbm>>
    %dma_wait3A_391 = arith.constant 0 : i32
    %dma_wait3A_392 = arith.constant 0 : i32
    %dma_wait3A_393 = tpu.memref_slice %arg3[%add3A_34, %dma_wait3A_391, %dma_wait3A_392] : memref<64x1600x512xf32, #tpu.memory_space<hbm>> -> memref<1x1600x512xf32, #tpu.memory_space<hbm>>
    %dma_wait3A_394 = tpu.memref_squeeze %dma_wait3A_393 : memref<1x1600x512xf32, #tpu.memory_space<hbm>> -> memref<1600x512xf32, #tpu.memory_space<hbm>>
    %dma_wait3A_395 = arith.constant 0 : i32
    %dma_wait3A_396 = tpu.memref_slice %dma_wait3A_394[%mul3A_4, %dma_wait3A_395] : memref<1600x512xf32, #tpu.memory_space<hbm>> -> memref<200x512xf32, #tpu.memory_space<hbm>>
    tpu.wait_dma2 semaphore(%arg5 : memref<!tpu.dma_semaphore, #tpu.memory_space<semaphore_mem>>) src(%arg4 : memref<200x512xf32, #tpu.memory_space<vmem>>) dst(%dma_wait3A_396 : memref<200x512xf32, #tpu.memory_space<hbm>>)
    %dma_wait3A_397 = arith.constant 0 : i32
    %dma_wait3A_398 = arith.constant 0 : i32
    %dma_wait3A_399 = tpu.memref_slice %arg3[%add3A_36, %dma_wait3A_397, %dma_wait3A_398] : memref<64x1600x512xf32, #tpu.memory_space<hbm>> -> memref<1x1600x512xf32, #tpu.memory_space<hbm>>
    %dma_wait3A_400 = tpu.memref_squeeze %dma_wait3A_399 : memref<1x1600x512xf32, #tpu.memory_space<hbm>> -> memref<1600x512xf32, #tpu.memory_space<hbm>>
    %dma_wait3A_401 = arith.constant 0 : i32
    %dma_wait3A_402 = tpu.memref_slice %dma_wait3A_400[%mul3A_4, %dma_wait3A_401] : memref<1600x512xf32, #tpu.memory_space<hbm>> -> memref<200x512xf32, #tpu.memory_space<hbm>>
    %dma_wait3A_403 = arith.constant 0 : i32
    %dma_wait3A_404 = arith.constant 0 : i32
    %dma_wait3A_405 = tpu.memref_slice %arg3[%add3A_36, %dma_wait3A_403, %dma_wait3A_404] : memref<64x1600x512xf32, #tpu.memory_space<hbm>> -> memref<1x1600x512xf32, #tpu.memory_space<hbm>>
    %dma_wait3A_406 = tpu.memref_squeeze %dma_wait3A_405 : memref<1x1600x512xf32, #tpu.memory_space<hbm>> -> memref<1600x512xf32, #tpu.memory_space<hbm>>
    %dma_wait3A_407 = arith.constant 0 : i32
    %dma_wait3A_408 = tpu.memref_slice %dma_wait3A_406[%mul3A_4, %dma_wait3A_407] : memref<1600x512xf32, #tpu.memory_space<hbm>> -> memref<200x512xf32, #tpu.memory_space<hbm>>
    tpu.wait_dma2 semaphore(%arg5 : memref<!tpu.dma_semaphore, #tpu.memory_space<semaphore_mem>>) src(%arg4 : memref<200x512xf32, #tpu.memory_space<vmem>>) dst(%dma_wait3A_408 : memref<200x512xf32, #tpu.memory_space<hbm>>)
    %dma_wait3A_409 = arith.constant 0 : i32
    %dma_wait3A_410 = arith.constant 0 : i32
    %dma_wait3A_411 = tpu.memref_slice %arg3[%add3A_38, %dma_wait3A_409, %dma_wait3A_410] : memref<64x1600x512xf32, #tpu.memory_space<hbm>> -> memref<1x1600x512xf32, #tpu.memory_space<hbm>>
    %dma_wait3A_412 = tpu.memref_squeeze %dma_wait3A_411 : memref<1x1600x512xf32, #tpu.memory_space<hbm>> -> memref<1600x512xf32, #tpu.memory_space<hbm>>
    %dma_wait3A_413 = arith.constant 0 : i32
    %dma_wait3A_414 = tpu.memref_slice %dma_wait3A_412[%mul3A_4, %dma_wait3A_413] : memref<1600x512xf32, #tpu.memory_space<hbm>> -> memref<200x512xf32, #tpu.memory_space<hbm>>
    %dma_wait3A_415 = arith.constant 0 : i32
    %dma_wait3A_416 = arith.constant 0 : i32
    %dma_wait3A_417 = tpu.memref_slice %arg3[%add3A_38, %dma_wait3A_415, %dma_wait3A_416] : memref<64x1600x512xf32, #tpu.memory_space<hbm>> -> memref<1x1600x512xf32, #tpu.memory_space<hbm>>
    %dma_wait3A_418 = tpu.memref_squeeze %dma_wait3A_417 : memref<1x1600x512xf32, #tpu.memory_space<hbm>> -> memref<1600x512xf32, #tpu.memory_space<hbm>>
    %dma_wait3A_419 = arith.constant 0 : i32
    %dma_wait3A_420 = tpu.memref_slice %dma_wait3A_418[%mul3A_4, %dma_wait3A_419] : memref<1600x512xf32, #tpu.memory_space<hbm>> -> memref<200x512xf32, #tpu.memory_space<hbm>>
    tpu.wait_dma2 semaphore(%arg5 : memref<!tpu.dma_semaphore, #tpu.memory_space<semaphore_mem>>) src(%arg4 : memref<200x512xf32, #tpu.memory_space<vmem>>) dst(%dma_wait3A_420 : memref<200x512xf32, #tpu.memory_space<hbm>>)
    return
  }
}

module attributes {stable_mosaic.version = 14 : i64} {
  func.func @_pe_build_kernel(%arg0: memref<40x256xf32, #tpu.memory_space<vmem>>, %arg1: memref<40x256xf32, #tpu.memory_space<vmem>>, %arg2: memref<40x40x512xf32, #tpu.memory_space<vmem>>) attributes {dimension_semantics = [], scalar_prefetch = 0 : i64, scratch_operands = 0 : i64, tpu.core_type = #tpu.core_type<tc>} {
    %get3A = arith.constant 0 : index
    %get3A_0 = arith.constant 0 : index
    %get3A_1 = vector.load %arg0[%get3A, %get3A_0] : memref<40x256xf32, #tpu.memory_space<vmem>>, vector<40x256xf32>
    %get3A_2 = arith.constant 0 : index
    %get3A_3 = arith.constant 0 : index
    %get3A_4 = vector.load %arg1[%get3A_2, %get3A_3] : memref<40x256xf32, #tpu.memory_space<vmem>>, vector<40x256xf32>
    %broadcast_in_dim3A = vector.shape_cast %get3A_1 : vector<40x256xf32> to vector<1x40x256xf32>
    %broadcast_in_dim3A_5 = vector.shape_cast %broadcast_in_dim3A : vector<1x40x256xf32> to vector<1x40x256xf32>
    %broadcast_in_dim3A_6 = vector.broadcast %broadcast_in_dim3A_5 : vector<1x40x256xf32> to vector<40x40x256xf32>
    %swap3A = arith.constant 0 : index
    %swap3A_7 = arith.constant 0 : index
    %swap3A_8 = arith.constant 0 : index
    %swap3A_9 = vector.load %arg2[%swap3A, %swap3A_7, %swap3A_8] : memref<40x40x512xf32, #tpu.memory_space<vmem>>, vector<40x40x256xf32>
    tpu.vector_store %arg2[%swap3A, %swap3A_7, %swap3A_8], %broadcast_in_dim3A_6 {strides = array<i32>} : memref<40x40x512xf32, #tpu.memory_space<vmem>>, vector<40x40x256xf32>,
    %broadcast_in_dim3A_10 = vector.shape_cast %get3A_4 : vector<40x256xf32> to vector<40x1x256xf32>
    %broadcast_in_dim3A_11 = vector.shape_cast %broadcast_in_dim3A_10 : vector<40x1x256xf32> to vector<40x1x256xf32>
    %broadcast_in_dim3A_12 = vector.broadcast %broadcast_in_dim3A_11 : vector<40x1x256xf32> to vector<40x40x256xf32>
    %swap3A_13 = arith.constant 0 : index
    %swap3A_14 = arith.constant 0 : index
    %swap3A_15 = arith.constant 256 : index
    %swap3A_16 = vector.load %arg2[%swap3A_13, %swap3A_14, %swap3A_15] : memref<40x40x512xf32, #tpu.memory_space<vmem>>, vector<40x40x256xf32>
    tpu.vector_store %arg2[%swap3A_13, %swap3A_14, %swap3A_15], %broadcast_in_dim3A_12 {strides = array<i32>} : memref<40x40x512xf32, #tpu.memory_space<vmem>>, vector<40x40x256xf32>,
    return
  }
}

</mosaic_0001>

<sc_bundles>
// kernel: kernel.4.cloned.1.call-start
scs
__scs_entry_jumppad:
0x0: {  	(pc) =	sbr.rel $0x88, $3  }
0x1: {  	(tag) =	ssettag $0x0;
	lr =	simm.s32 $0x1  }
0x2: {  	[smem:$0x3F9F] =	sst lr;
	_ =	strace $0xD0000000  }
0x3: {  	_ = 	snop  }
0x4: {  	_ = 	snop  }
0x5: {  	_ = 	snop  }
0x6: {  	_ = 	snop  }
0x7: {  	_ = 	snop  }
__scs_overlays_trampoline_lowered:
0x8: {  	[smem:$0x3FAE] =	sst s0  }
0x9: {  	[smem:$0x3FAF] =	sst s1  }
0xa: {  	[smem:$0x3FB0] =	sst s2  }
0xb: {  	[smem:$0x3FB1] =	sst s3  }
0xc: {  	[smem:$0x3FB2] =	sst s4  }
0xd: {  	[smem:$0x3FB3] =	sst s5  }
0xe: {  	[smem:$0x3FB4] =	sst s6  }
0xf: {  	[smem:$0x3FB5] =	sst s7  }
0x10: {  	[smem:$0x3FB6] =	sst s8  }
0x11: {  	[smem:$0x3FB7] =	sst s9;
	s0 =	simm.s32 @!p0 $0x0  }
0x12: {  	s1 =	sld [smem:$0x3F9D];
	s0 =	simm.s32 @p0 $0x1  }
0x13: {  	[smem:$0x3FB8] =	sst s0;
	s0 =	simm.s32 @!p1 $0x0  }
0x14: {  	s2 =	sld [smem:$0x3F9C];
	s0 =	simm.s32 @p1 $0x1  }
0x15: {  	[smem:$0x3FB9] =	sst s0;
	s0 =	simm.s32 @!p2 $0x0  }
0x16: {  	s3 =	sld [smem:$0x3FDB];
	s0 =	simm.s32 @p2 $0x1  }
0x17: {  	s4 =	simm.s32 $0x1BF5;
	[smem:$0x3FBB] =	sst s0  }
0x18: {  	s0 =	sld [smem:$0x3F9E];
	_ =	swait.ge [sflag:s4], $0x0  }
0x19: {  	s7 =	sld [smem:$0x3F9F]  }
0x1a: {  	s8 =	sadd.s32 $0xFFFFE003, lr  }
0x1b: {  	s9 =	sadd.s32 $0xFFFFFEF7, lr;
	s5 =	simm.s32 $0xFFFFFFFF;
	p2 =	slt.u32 s8, $0xFFFFF086  }
0x1c: {  	p1 =	slt.u32 s9, $0xF7A;
	s5 =	simm.s32 @!p2 $0x0  }
0x1d: {  	s5 =	simm.s32 @p1 $0x1;
	p0 =	seq.s32 s7, s2  }
0x1e: {  	s7 =	smul.u32 @!p0 $0xF7A, s2;
	p2 =	seq.s32 @!p0 s5, $0x0  }
0x1f: {  	s9 =	smul.u32 $0xF7A, s1;
	s8 =	simm.s32 @!p0 $0x1BF5;
	p2 =	por !p2, p0  }
0x20: {  	[sflag:s8] =	ssyncset.s32 @!p0 $0xFFFFF086;
	s6 =	sadd.s32 @!p0 s3, s7;
	s7 =	simm.s32 @!p0 $0x108  }
0x21: {  	s3 =	sadd.s32 s3, s9;
	s6 =	sadd.s32 @!p0 $0x88, s6;
	s7 =	simm.s32 @p2 $0x1082  }
0x22: {  	[simem:s7], [sflag:s8] =	dma.local @!p0 [hbm:s6], $0xF7A  }
0x23: {  	s9 =	sor.u32 $0xD0000000, s2;
	s6 =	simm.s32 $0x108;
	_ =	swait.ge @!p0 [sflag:s8], $0x0  }
0x24: {  	s3 =	sadd.s32 $0x88, s3;
	s6 =	simm.s32 @!p1 $0x1082;
	[sflag:s4] =	ssyncset.s32 $0xFFFFF086  }
0x25: {  	[simem:s6], [sflag:s4] =	dma.local [hbm:s3], $0xF7A  }
0x26: {  	[smem:$0x3F9F] =	sst s1;
	(tag) =	ssettag s2;
	_ =	strace s9  }
0x27: {  	s1 =	sld [smem:$0x3FAF]  }
0x28: {  	s2 =	sld [smem:$0x3FB0]  }
0x29: {  	s4 =	sld [smem:$0x3FB2]  }
0x2a: {  	p0 =	seq.s32 s5, $0x0;
	s5 =	sld [smem:$0x3FB3]  }
0x2b: {  	s6 =	sld [smem:$0x3FB4]  }
0x2c: {  	s7 =	sld [smem:$0x3FB5]  }
0x2d: {  	s3 =	simm.s32 $0x108;
	s8 =	sld [smem:$0x3FB6]  }
0x2e: {  	s3 =	simm.s32 @!p0 $0x1082;
	s9 =	sld [smem:$0x3FB7]  }
0x2f: {  	lr =	sadd.s32 s0, s3;
	s0 =	sld [smem:$0x3FAE]  }
0x30: {  	s3 =	sld [smem:$0x3FB1]  }
0x31: {  	[smem:$0x3FBA] =	sst s10  }
0x32: {  	s10 =	sld [smem:$0x3FB8];
	_ =	sdelay $0x3  }
0x33: {  	p0 =	seq.s32 s10, $0x1;
	s10 =	sld [smem:$0x3FBA];
	_ =	sdelay $0x3  }
0x34: {  	[smem:$0x3FBA] =	sst s10  }
0x35: {  	s10 =	sld [smem:$0x3FB9];
	_ =	sdelay $0x3  }
0x36: {  	p1 =	seq.s32 s10, $0x1;
	s10 =	sld [smem:$0x3FBA];
	_ =	sdelay $0x3  }
0x37: {  	[smem:$0x3FBA] =	sst s10  }
0x38: {  	s10 =	sld [smem:$0x3FBB]  }
0x39: {  	_ = 	snop;
	(pc) =	sbr.ind lr, $3  }
0x3a: {  	_ = 	snop  }
0x3b: {  	_ = 	snop  }
0x3c: {  	p2 =	seq.s32 s10, $0x1;
	s10 =	sld [smem:$0x3FBA]  }
0x3d: {  	_ =	shalt  }
0x3e: {  	_ =	shalt  }
0x3f: {  	_ =	shalt  }
0x40: {  	_ =	shalt  }
0x41: {  	_ =	shalt  }
0x42: {  	_ =	shalt  }
0x43: {  	_ =	shalt  }
0x44: {  	_ =	shalt  }
0x45: {  	_ =	shalt  }
0x46: {  	_ =	shalt  }
0x47: {  	_ =	shalt  }
0x48: {  	_ =	shalt  }
0x49: {  	_ =	shalt  }
0x4a: {  	_ =	shalt  }
0x4b: {  	_ =	shalt  }
0x4c: {  	_ =	shalt  }
0x4d: {  	_ =	shalt  }
0x4e: {  	_ =	shalt  }
0x4f: {  	_ =	shalt  }
0x50: {  	_ =	shalt  }
0x51: {  	_ =	shalt  }
0x52: {  	_ =	shalt  }
0x53: {  	_ =	shalt  }
0x54: {  	_ =	shalt  }
0x55: {  	_ =	shalt  }
0x56: {  	_ =	shalt  }
0x57: {  	_ =	shalt  }
0x58: {  	_ =	shalt  }
0x59: {  	_ =	shalt  }
0x5a: {  	_ =	shalt  }
0x5b: {  	_ =	shalt  }
0x5c: {  	_ =	shalt  }
0x5d: {  	_ =	shalt  }
0x5e: {  	_ =	shalt  }
0x5f: {  	_ =	shalt  }
0x60: {  	_ =	shalt  }
0x61: {  	_ =	shalt  }
0x62: {  	_ =	shalt  }
0x63: {  	_ =	shalt  }
0x64: {  	_ =	shalt  }
0x65: {  	_ =	shalt  }
0x66: {  	_ =	shalt  }
0x67: {  	_ =	shalt  }
0x68: {  	_ =	shalt  }
0x69: {  	_ =	shalt  }
0x6a: {  	_ =	shalt  }
0x6b: {  	_ =	shalt  }
0x6c: {  	_ =	shalt  }
0x6d: {  	_ =	shalt  }
0x6e: {  	_ =	shalt  }
0x6f: {  	_ =	shalt  }
0x70: {  	_ =	shalt  }
0x71: {  	_ =	shalt  }
0x72: {  	_ =	shalt  }
0x73: {  	_ =	shalt  }
0x74: {  	_ =	shalt  }
0x75: {  	_ =	shalt  }
0x76: {  	_ =	shalt  }
0x77: {  	_ =	shalt  }
0x78: {  	_ =	shalt  }
0x79: {  	_ =	shalt  }
0x7a: {  	_ =	shalt  }
0x7b: {  	_ =	shalt  }
0x7c: {  	_ =	shalt  }
0x7d: {  	_ =	shalt  }
0x7e: {  	_ =	shalt  }
0x7f: {  	_ =	shalt  }
0x80: {  	_ =	shalt  }
0x81: {  	_ =	shalt  }
0x82: {  	_ =	shalt  }
0x83: {  	_ =	shalt  }
0x84: {  	_ =	shalt  }
0x85: {  	_ =	shalt  }
0x86: {  	_ =	shalt  }
0x87: {  	_ =	shalt  }
.Lfunc_end0:
.L_simem_size_0:
called_computation_lowered:
.L_overlay_start_0:
0x88: {  	s2 =	sld [smem:$0x3FD9]  }
0x89: {  	s3 =	sld [smem:$0x3FFE];
	_ =	sdelay $0x1  }
0x8a: {  	s1 =	srdreg.scid  }
0x8b: {  	s0 =	sand.u32 $0x1, s1  }
0x8c: {  	s17 =	sshll.u32 s0, $0xA;
	s2 =	sadd.s32 s3, s2  }
0x8d: {  	s2 =	sadd.s32 s2, s17  }
0x8e: {  	[smem:$0x3FC6] =	sst s2  }
0x8f: {  	_ = 	snop  }
0x90: {  	s2 =	sld [smem:$0x3FD0];
	(tm) =	ssettm $0x1  }
0x91: {  	s18 =	sld [smem:$0x3FFB];
	_ =	sdelay $0x3  }
0x92: {  	_ =	strace s18  }
0x93: {  	s3 =	sld [smem:$0x3FFC];
	_ =	sdelay $0x3  }
0x94: {  	_ =	strace s3  }
0x95: {  	s3 =	sld [smem:$0x3FFD];
	_ =	sdelay $0x3  }
0x96: {  	_ =	strace s3  }
0x97: {  	_ =	strace $0x8FFFFFFF  }
0x98: {  	s19 =	sld [smem:$0x3FDB];
	_ =	sdelay $0x1  }
0x99: {  	s4 =	simm.s32 $_scs_section_size  }
0x9a: {  	s5 =	simm.s32 $_size__tile_overlayer_lowered;
	s6 =	simm.s32 $_tile_overlayer_lowered  }
0x9b: {  	s22 =	simm.s32 $0x1BFF;
	s21 =	sshll.u32 s6, $0x1;
	s3 =	sadd.s32 s4, s19  }
0x9c: {  	s7 =	simm.s32 $0x0;
	s20 =	sshll.u32 s5, $0x1;
	s5 =	sadd.s32 s21, s3  }
0x9d: {  	[timem:s7], [sflag:s22] =	dma.local [hbm:s5], s20  }
0x9e: {  	_ =	swait.ge [sflag:s22], s20  }
0x9f: {  	s4 =	ssub.s32 $0x0, s20;
	[sflag:s22] =	ssyncset.done $0x0  }
0xa0: {  	[sflag:s22] =	ssyncadd.s32 s4;
	_ =	sdelay $0x1  }
0xa1: {  	s23 =	simm.s32 $0x1B8B  }
0xa2: {  	_ =	swait.ge [sflag:s23], $0x1  }
0xa3: {  	[sflag:s23] =	ssyncset.done $0x0  }
0xa4: {  	s25 =	simm.s32 $0x1B8E;
	s24 =	sld [smem:$0x3FFE];
	[sflag:s23] =	ssyncadd.s32 $0xFFFFFFFF  }
0xa5: {  	s26 =	simm.s32 $execute0_lowered;
	[smem:$0x3FD2] =	sst s25  }
0xa6: {  	s5 =	sshll.u32 s26, $0x1;
	_ =	strace $0x80000046;
	[dreg:$0x1] =	wrdreg $0xFFFFFFFF  }
0xa7: {  	s28 =	simm.s32 $_size_execute0_lowered;
	s3 =	sadd.s32 s3, s5;
	[dreg:$0x0] =	wrdreg $0x0  }
0xa8: {  	s5 =	sshll.u32 s28, $0x1;
	[dreg:$0x2] =	wrdreg s3  }
0xa9: {  	[dreg:$0x3] =	wrdreg s5  }
0xaa: {  	[dreg:$0x4] =	wrdreg $0xC0  }
0xab: {  	_ =	task [dreg:s7], $0x5FFFF  }
0xac: {  	[dreg:$0x1] =	wrdreg $0xFFFFFFFF  }
0xad: {  	[dreg:$0x0] =	wrdreg $0x60  }
0xae: {  	[dreg:$0x2] =	wrdreg s24  }
0xaf: {  	[dreg:$0x3] =	wrdreg s2  }
0xb0: {  	[dreg:$0x4] =	wrdreg $0x9  }
0xb1: {  	_ =	task.clear_ibuf [dreg:s7], $0x5FFFF;
	_ =	strace $0x90000046  }
0xb2: {  	s29 =	simm.s32 $0x9;
	_ =	strace $0x80000048  }
0xb3: {  	_ =	swait.ge [sflag:s29], $0x1  }
0xb4: {  	[sflag:s29] =	ssyncadd.s32 $0xFFFFFFFF  }
0xb5: {  	_ =	strace $0x90000048  }
0xb6: {  	_ =	sfence  }
0xb7: {  	s30 =	sld [smem:$0x0];
	_ =	sdelay $0x2  }
0xb8: {  	s31 =	sshll.u32 s1, $0xD;
	s1 =	sshrl.u32 s1, $0x2  }
0xb9: {  	s3 =	sand.u32 $0x4000, s31;
	s1 =	sadd.s32 s1, s30  }
0xba: {  	s0 =	sor.u32 s3, s0;
	s1 =	sshll.u32 s1, $0x11  }
0xbb: {  	s0 =	sor.u32 s1, s0  }
0xbc: {  	s0 =	sadd.s32 $0x8F2B, s0  }
0xbd: {  	[sflag:s0] =	ssyncadd.remote.s32 $0x1  }
0xbe: {  	_ =	sfence.sel $0xFFFF  }
0xbf: {  	[dreg:$0x0] =	wrdreg $0xFFFFFFFF;
	(pc) =	sbr.abs _section_cstart, $3  }
0xc0: {  	[dreg:$0x1] =	wrdreg $0xFFFFFFFF  }
0xc1: {  	_ =	task.clear_ibuf [dreg:s7], $0x2FFFF;
	_ =	strace $0x9FFFFFFF  }
0xc2: {  	(tm) =	ssettm $0x7FFFFFFF  }
0xc3: {  	_ =	shalt  }
tec
execute0_lowered:
.L_overlay_start_1:
0x0: {  	(tag) =	ssettag $0x1  }
0x1: {  	s0 =	stileid.u32  }
0x2: {  	s1 =	srdreg.scid;
	s2 =	sshll.u32 s0, $0x1  }
0x3: {  	s22 =	sand.u32 $0x1, s1;
	s28 =	sand.u32 $0x6, s2  }
0x4: {  	s3 =	rddreg [dreg:$0x0];
	s4 =	sor.u32 s22, s28  }
0x5: {  	s5 =	rddreg [dreg:$0x1];
	s29 =	sshrl.u32 s0, $0x2;
	s20 =	smul.u32 $0x3200, s4  }
0x6: {  	s1 =	rddreg [dreg:$0x2];
	s2 =	simm.s32 $0x0;
	s6 =	smul.u32 $0x190000, s29  }
0x7: {  	s7 =	smul.u32 $0xC80000, s29;
	[smem:$0x7FF] =	sst s2;
	s3 =	sadd.s32 s20, s3  }
0x8: {  	_ =	strace $0x80000047;
	s4 =	simm.s32 $0x2;
	s3 =	sadd.s32 $0xA00, s3  }
0x9: {  	[tilespmem:s2], [sflag:$0x2] =	stream.linear.gather [hbm4b:s3+s2], $0x19000, $0x38;
	[tilespmem:$0x19000] =	vst v63  }
0xa: {  	s7 =	sshrl.u32 s7, $0x3;
	_ =	swait.ge [sflag:s4], $0x19000  }
0xb: {  	s6 =	sadd.s32 s5, s6;
	s19 =	sadd.s32 s5, s7;
	[sflag:s4] =	ssyncset.done $0x0  }
0xc: {  	s7 =	sadd.s32 $0x19000, s19;
	s5 =	sadd.s32 s20, s6;
	[sflag:s4] =	ssyncadd.s32 $0xFFFE7000  }
0xd: {  	[hbm4b:s5+s2] =	stream.linear.scatter [tilespmem:s2], [sflag:$0x1], $0x19000, $0x38;
	[tilespmem:$0x19000] =	vst v63  }
0xe: {  	s8 =	sadd.s32 $0x32000, s19;
	s6 =	sadd.s32 s20, s7  }
0xf: {  	[hbm4b:s6+s2] =	stream.linear.scatter [tilespmem:s2], [sflag:$0x1], $0x19000, $0x38;
	[tilespmem:$0x19000] =	vst v63  }
0x10: {  	s9 =	sadd.s32 $0x4B000, s19;
	s7 =	sadd.s32 s20, s8  }
0x11: {  	[hbm4b:s7+s2] =	stream.linear.scatter [tilespmem:s2], [sflag:$0x1], $0x19000, $0x38;
	[tilespmem:$0x19000] =	vst v63  }
0x12: {  	s10 =	sadd.s32 $0x64000, s19;
	s8 =	sadd.s32 s20, s9  }
0x13: {  	[hbm4b:s8+s2] =	stream.linear.scatter [tilespmem:s2], [sflag:$0x1], $0x19000, $0x38;
	[tilespmem:$0x19000] =	vst v63  }
0x14: {  	s11 =	sadd.s32 $0x7D000, s19;
	s9 =	sadd.s32 s20, s10  }
0x15: {  	[hbm4b:s9+s2] =	stream.linear.scatter [tilespmem:s2], [sflag:$0x1], $0x19000, $0x38;
	[tilespmem:$0x19000] =	vst v63  }
0x16: {  	s12 =	sadd.s32 $0x96000, s19;
	s10 =	sadd.s32 s20, s11  }
0x17: {  	[hbm4b:s10+s2] =	stream.linear.scatter [tilespmem:s2], [sflag:$0x1], $0x19000, $0x38;
	[tilespmem:$0x19000] =	vst v63  }
0x18: {  	s13 =	sadd.s32 $0xAF000, s19;
	s11 =	sadd.s32 s20, s12  }
0x19: {  	[hbm4b:s11+s2] =	stream.linear.scatter [tilespmem:s2], [sflag:$0x1], $0x19000, $0x38;
	[tilespmem:$0x19000] =	vst v63  }
0x1a: {  	s14 =	sadd.s32 $0xC8000, s19;
	s12 =	sadd.s32 s20, s13  }
0x1b: {  	[hbm4b:s12+s2] =	stream.linear.scatter [tilespmem:s2], [sflag:$0x1], $0x19000, $0x38;
	[tilespmem:$0x19000] =	vst v63  }
0x1c: {  	s15 =	sadd.s32 $0xE1000, s19;
	s13 =	sadd.s32 s20, s14  }
0x1d: {  	[hbm4b:s13+s2] =	stream.linear.scatter [tilespmem:s2], [sflag:$0x1], $0x19000, $0x38;
	[tilespmem:$0x19000] =	vst v63  }
0x1e: {  	s16 =	sadd.s32 $0xFA000, s19;
	s14 =	sadd.s32 s20, s15  }
0x1f: {  	[hbm4b:s14+s2] =	stream.linear.scatter [tilespmem:s2], [sflag:$0x1], $0x19000, $0x38;
	[tilespmem:$0x19000] =	vst v63  }
0x20: {  	s17 =	sadd.s32 $0x113000, s19;
	s15 =	sadd.s32 s20, s16  }
0x21: {  	[hbm4b:s15+s2] =	stream.linear.scatter [tilespmem:s2], [sflag:$0x1], $0x19000, $0x38;
	[tilespmem:$0x19000] =	vst v63  }
0x22: {  	s18 =	sadd.s32 $0x12C000, s19;
	s16 =	sadd.s32 s20, s17  }
0x23: {  	[hbm4b:s16+s2] =	stream.linear.scatter [tilespmem:s2], [sflag:$0x1], $0x19000, $0x38;
	[tilespmem:$0x19000] =	vst v63  }
0x24: {  	s21 =	sadd.s32 $0x145000, s19;
	s17 =	sadd.s32 s20, s18  }
0x25: {  	[hbm4b:s17+s2] =	stream.linear.scatter [tilespmem:s2], [sflag:$0x1], $0x19000, $0x38;
	[tilespmem:$0x19000] =	vst v63  }
0x26: {  	s23 =	sadd.s32 $0x15E000, s19;
	s18 =	sadd.s32 s20, s21  }
0x27: {  	[hbm4b:s18+s2] =	stream.linear.scatter [tilespmem:s2], [sflag:$0x1], $0x19000, $0x38;
	[tilespmem:$0x19000] =	vst v63  }
0x28: {  	s30 =	sadd.s32 $0x177000, s19;
	s19 =	sadd.s32 s20, s23  }
0x29: {  	[hbm4b:s19+s2] =	stream.linear.scatter [tilespmem:s2], [sflag:$0x1], $0x19000, $0x38;
	[tilespmem:$0x19000] =	vst v63  }
0x2a: {  	s21 =	sadd.s32 s20, s30;
	s20 =	simm.s32 $0x1  }
0x2b: {  	[hbm4b:s21+s2] =	stream.linear.scatter [tilespmem:s2], [sflag:$0x1], $0x19000, $0x38;
	[tilespmem:$0x19000] =	vst v63  }
0x2c: {  	_ =	swait.ge [sflag:s20], $0x19000  }
0x2d: {  	[sflag:s20] =	ssyncset.done $0x0  }
0x2e: {  	[sflag:s20] =	ssyncadd.s32 $0xFFFE7000  }
0x2f: {  	_ =	swait.ge [sflag:s20], $0x19000  }
0x30: {  	[sflag:s20] =	ssyncset.done $0x0  }
0x31: {  	[sflag:s20] =	ssyncadd.s32 $0xFFFE7000  }
0x32: {  	_ =	swait.ge [sflag:s20], $0x19000  }
0x33: {  	[sflag:s20] =	ssyncset.done $0x0  }
0x34: {  	[sflag:s20] =	ssyncadd.s32 $0xFFFE7000  }
0x35: {  	_ =	swait.ge [sflag:s20], $0x19000  }
0x36: {  	[sflag:s20] =	ssyncset.done $0x0  }
0x37: {  	[sflag:s20] =	ssyncadd.s32 $0xFFFE7000  }
0x38: {  	_ =	swait.ge [sflag:s20], $0x19000  }
0x39: {  	[sflag:s20] =	ssyncset.done $0x0  }
0x3a: {  	[sflag:s20] =	ssyncadd.s32 $0xFFFE7000  }
0x3b: {  	_ =	swait.ge [sflag:s20], $0x19000  }
0x3c: {  	[sflag:s20] =	ssyncset.done $0x0  }
0x3d: {  	[sflag:s20] =	ssyncadd.s32 $0xFFFE7000  }
0x3e: {  	_ =	swait.ge [sflag:s20], $0x19000  }
0x3f: {  	[sflag:s20] =	ssyncset.done $0x0  }
0x40: {  	[sflag:s20] =	ssyncadd.s32 $0xFFFE7000  }
0x41: {  	_ =	swait.ge [sflag:s20], $0x19000  }
0x42: {  	[sflag:s20] =	ssyncset.done $0x0  }
0x43: {  	[sflag:s20] =	ssyncadd.s32 $0xFFFE7000  }
0x44: {  	_ =	swait.ge [sflag:s20], $0x19000  }
0x45: {  	[sflag:s20] =	ssyncset.done $0x0  }
0x46: {  	[sflag:s20] =	ssyncadd.s32 $0xFFFE7000  }
0x47: {  	_ =	swait.ge [sflag:s20], $0x19000  }
0x48: {  	[sflag:s20] =	ssyncset.done $0x0  }
0x49: {  	[sflag:s20] =	ssyncadd.s32 $0xFFFE7000  }
0x4a: {  	_ =	swait.ge [sflag:s20], $0x19000  }
0x4b: {  	[sflag:s20] =	ssyncset.done $0x0  }
0x4c: {  	[sflag:s20] =	ssyncadd.s32 $0xFFFE7000  }
0x4d: {  	_ =	swait.ge [sflag:s20], $0x19000  }
0x4e: {  	[sflag:s20] =	ssyncset.done $0x0  }
0x4f: {  	[sflag:s20] =	ssyncadd.s32 $0xFFFE7000  }
0x50: {  	_ =	swait.ge [sflag:s20], $0x19000  }
0x51: {  	s22 =	ssub.s32 $0x2, s22;
	[sflag:s20] =	ssyncset.done $0x0  }
0x52: {  	s31 =	sshrl.u32 s22, $0x1;
	[sflag:s20] =	ssyncadd.s32 $0xFFFE7000  }
0x53: {  	s22 =	ssub.s32 s22, s31;
	_ =	swait.ge [sflag:s20], $0x19000  }
0x54: {  	s22 =	smax.u32 s22, $0x1;
	[sflag:s20] =	ssyncset.done $0x0  }
0x55: {  	p0 =	sne.s32 s22, $0x1;
	[sflag:s20] =	ssyncadd.s32 $0xFFFE7000  }
.Ltmp0:
0x56: {  	_ =	swait.ge [sflag:s20], $0x19000;
	(pc) =	sbr.rel @!p0 .LBB2_2-.Ltmp0, $4  }
0x57: {  	[sflag:s20] =	ssyncset.done $0x0  }
0x58: {  	[sflag:s20] =	ssyncadd.s32 $0xFFFE7000  }
0x59: {  	_ =	swait.ge [sflag:s20], $0x19000  }
0x5a: {  	s22 =	sadd.s32 $0xFFFFFFFF, s22;
	[sflag:s20] =	ssyncset.done $0x0  }
.LBB2_1:
0x5b: {  	p0 =	sne.s32 s22, $0x1;
	s22 =	sadd.s32 $0xFFFFFFFF, s22;
	[sflag:s20] =	ssyncadd.s32 $0xFFFE7000  }
0x5c: {  	[tilespmem:s2], [sflag:$0x2] =	stream.linear.gather [hbm4b:s3+s2], $0x19000, $0x38;
	[tilespmem:$0x19000] =	vst v63  }
0x5d: {  	_ =	swait.ge [sflag:s4], $0x19000  }
0x5e: {  	[sflag:s4] =	ssyncset.done $0x0  }
0x5f: {  	[sflag:s4] =	ssyncadd.s32 $0xFFFE7000  }
0x60: {  	[hbm4b:s5+s2] =	stream.linear.scatter [tilespmem:s2], [sflag:$0x1], $0x19000, $0x38;
	[tilespmem:$0x19000] =	vst v63  }
0x61: {  	_ = 	snop  }
0x62: {  	[hbm4b:s6+s2] =	stream.linear.scatter [tilespmem:s2], [sflag:$0x1], $0x19000, $0x38;
	[tilespmem:$0x19000] =	vst v63  }
0x63: {  	_ = 	snop  }
0x64: {  	[hbm4b:s7+s2] =	stream.linear.scatter [tilespmem:s2], [sflag:$0x1], $0x19000, $0x38;
	[tilespmem:$0x19000] =	vst v63  }
0x65: {  	_ = 	snop  }
0x66: {  	[hbm4b:s8+s2] =	stream.linear.scatter [tilespmem:s2], [sflag:$0x1], $0x19000, $0x38;
	[tilespmem:$0x19000] =	vst v63  }
0x67: {  	_ = 	snop  }
0x68: {  	[hbm4b:s9+s2] =	stream.linear.scatter [tilespmem:s2], [sflag:$0x1], $0x19000, $0x38;
	[tilespmem:$0x19000] =	vst v63  }
0x69: {  	_ = 	snop  }
0x6a: {  	[hbm4b:s10+s2] =	stream.linear.scatter [tilespmem:s2], [sflag:$0x1], $0x19000, $0x38;
	[tilespmem:$0x19000] =	vst v63  }
0x6b: {  	_ = 	snop  }
0x6c: {  	[hbm4b:s11+s2] =	stream.linear.scatter [tilespmem:s2], [sflag:$0x1], $0x19000, $0x38;
	[tilespmem:$0x19000] =	vst v63  }
0x6d: {  	_ = 	snop  }
0x6e: {  	[hbm4b:s12+s2] =	stream.linear.scatter [tilespmem:s2], [sflag:$0x1], $0x19000, $0x38;
	[tilespmem:$0x19000] =	vst v63  }
0x6f: {  	_ = 	snop  }
0x70: {  	[hbm4b:s13+s2] =	stream.linear.scatter [tilespmem:s2], [sflag:$0x1], $0x19000, $0x38;
	[tilespmem:$0x19000] =	vst v63  }
0x71: {  	_ = 	snop  }
0x72: {  	[hbm4b:s14+s2] =	stream.linear.scatter [tilespmem:s2], [sflag:$0x1], $0x19000, $0x38;
	[tilespmem:$0x19000] =	vst v63  }
0x73: {  	_ = 	snop  }
0x74: {  	[hbm4b:s15+s2] =	stream.linear.scatter [tilespmem:s2], [sflag:$0x1], $0x19000, $0x38;
	[tilespmem:$0x19000] =	vst v63  }
0x75: {  	_ = 	snop  }
0x76: {  	[hbm4b:s16+s2] =	stream.linear.scatter [tilespmem:s2], [sflag:$0x1], $0x19000, $0x38;
	[tilespmem:$0x19000] =	vst v63  }
0x77: {  	_ = 	snop  }
0x78: {  	[hbm4b:s17+s2] =	stream.linear.scatter [tilespmem:s2], [sflag:$0x1], $0x19000, $0x38;
	[tilespmem:$0x19000] =	vst v63  }
0x79: {  	_ = 	snop  }
0x7a: {  	[hbm4b:s18+s2] =	stream.linear.scatter [tilespmem:s2], [sflag:$0x1], $0x19000, $0x38;
	[tilespmem:$0x19000] =	vst v63  }
0x7b: {  	_ = 	snop  }
0x7c: {  	[hbm4b:s19+s2] =	stream.linear.scatter [tilespmem:s2], [sflag:$0x1], $0x19000, $0x38;
	[tilespmem:$0x19000] =	vst v63  }
0x7d: {  	_ = 	snop  }
0x7e: {  	[hbm4b:s21+s2] =	stream.linear.scatter [tilespmem:s2], [sflag:$0x1], $0x19000, $0x38;
	[tilespmem:$0x19000] =	vst v63  }
0x7f: {  	_ =	swait.ge [sflag:s20], $0x19000  }
0x80: {  	[sflag:s20] =	ssyncset.done $0x0  }
0x81: {  	[sflag:s20] =	ssyncadd.s32 $0xFFFE7000  }
0x82: {  	_ =	swait.ge [sflag:s20], $0x19000  }
0x83: {  	[sflag:s20] =	ssyncset.done $0x0  }
0x84: {  	[sflag:s20] =	ssyncadd.s32 $0xFFFE7000  }
0x85: {  	_ =	swait.ge [sflag:s20], $0x19000  }
0x86: {  	[sflag:s20] =	ssyncset.done $0x0  }
0x87: {  	[sflag:s20] =	ssyncadd.s32 $0xFFFE7000  }
0x88: {  	_ =	swait.ge [sflag:s20], $0x19000  }
0x89: {  	[sflag:s20] =	ssyncset.done $0x0  }
0x8a: {  	[sflag:s20] =	ssyncadd.s32 $0xFFFE7000  }
0x8b: {  	_ =	swait.ge [sflag:s20], $0x19000  }
0x8c: {  	[sflag:s20] =	ssyncset.done $0x0  }
0x8d: {  	[sflag:s20] =	ssyncadd.s32 $0xFFFE7000  }
0x8e: {  	_ =	swait.ge [sflag:s20], $0x19000  }
0x8f: {  	[sflag:s20] =	ssyncset.done $0x0  }
0x90: {  	[sflag:s20] =	ssyncadd.s32 $0xFFFE7000  }
0x91: {  	_ =	swait.ge [sflag:s20], $0x19000  }
0x92: {  	[sflag:s20] =	ssyncset.done $0x0  }
0x93: {  	[sflag:s20] =	ssyncadd.s32 $0xFFFE7000  }
0x94: {  	_ =	swait.ge [sflag:s20], $0x19000  }
0x95: {  	[sflag:s20] =	ssyncset.done $0x0  }
0x96: {  	[sflag:s20] =	ssyncadd.s32 $0xFFFE7000  }
0x97: {  	_ =	swait.ge [sflag:s20], $0x19000  }
0x98: {  	[sflag:s20] =	ssyncset.done $0x0  }
0x99: {  	[sflag:s20] =	ssyncadd.s32 $0xFFFE7000  }
0x9a: {  	_ =	swait.ge [sflag:s20], $0x19000  }
0x9b: {  	[sflag:s20] =	ssyncset.done $0x0  }
0x9c: {  	[sflag:s20] =	ssyncadd.s32 $0xFFFE7000  }
0x9d: {  	_ =	swait.ge [sflag:s20], $0x19000  }
0x9e: {  	[sflag:s20] =	ssyncset.done $0x0  }
0x9f: {  	[sflag:s20] =	ssyncadd.s32 $0xFFFE7000  }
0xa0: {  	_ =	swait.ge [sflag:s20], $0x19000  }
0xa1: {  	[sflag:s20] =	ssyncset.done $0x0  }
0xa2: {  	[sflag:s20] =	ssyncadd.s32 $0xFFFE7000  }
0xa3: {  	_ =	swait.ge [sflag:s20], $0x19000  }
0xa4: {  	[sflag:s20] =	ssyncset.done $0x0  }
0xa5: {  	[sflag:s20] =	ssyncadd.s32 $0xFFFE7000  }
0xa6: {  	_ =	swait.ge [sflag:s20], $0x19000  }
0xa7: {  	[sflag:s20] =	ssyncset.done $0x0  }
0xa8: {  	[sflag:s20] =	ssyncadd.s32 $0xFFFE7000  }
.Ltmp1:
0xa9: {  	_ =	swait.ge [sflag:s20], $0x19000;
	(pc) =	sbr.rel @p0 .LBB2_1-.Ltmp1, $4  }
0xaa: {  	[sflag:s20] =	ssyncset.done $0x0  }
0xab: {  	[sflag:s20] =	ssyncadd.s32 $0xFFFE7000  }
0xac: {  	_ =	swait.ge [sflag:s20], $0x19000  }
0xad: {  	[sflag:s20] =	ssyncset.done $0x0  }
.LBB2_2:
0xae: {  	[sflag:s20] =	ssyncadd.s32 $0xFFFE7000  }
0xaf: {  	_ =	sfence.sel $0x180000  }
0xb0: {  	[bflag:$0x0] =	sbarrier.arrive $0xFFFF  }
0xb1: {  	p0 =	sne.s32 s0, $0x0;
	_ =	strace $0x90000047  }
0xb2: {  	s0 =	sadd.s32 @!p0 $0x100000, s1;
	[bflag:$0x2] =	sbarrier.arrive $0xFFFF  }
0xb3: {  	[sflag:s0] =	ssyncadd.tile.s32 @!p0 $0x1;
	_ =	shalt  }
.Lfunc_end2:
_tile_overlayer_lowered:
.L_overlay_start_2:
0xb4: {  	(tag) =	ssettag $0x2  }
0xb5: {  	s0 =	rddreg [dreg:$0x0];
	s2 =	stileid.u32  }
0xb6: {  	s1 =	rddreg [dreg:$0x1];
	p0 =	sne.s32 s2, $0x0  }
0xb7: {  	s3 =	rddreg [dreg:$0x2];
	[bflag:$0x3] =	sbarrier.arrive $0xFFFF;
	s2 =	simm.s32 @!p0 $0x1C02  }
0xb8: {  	[timem:s3], [sflag:s2] =	dma.local @!p0 [hbm:s0], s1  }
0xb9: {  	s0 =	simm.s32 @!p0 $0x2  }
0xba: {  	_ =	swait.ge @!p0 [sflag:s0], s1  }
0xbb: {  	s1 =	ssub.s32 @!p0 $0x0, s1;
	[sflag:s0] =	ssyncset.done @!p0 $0x0  }
0xbc: {  	[sflag:s0] =	ssyncadd.s32 @!p0 s1  }
0xbd: {  	[bflag:$0x3] =	sbarrier.arrive $0xFFFF  }
0xbe: {  	_ =	shalt  }

</sc_bundles>
